<compile_context>
chip_gen: v7x
topology: tpu7x:2x2x1
jax: 0.10.2.dev20260603
libtpu: 0.0.44.dev20260713+nightly
codegen_flags: <defaults>
</compile_context>

<pallas_src>
import functools

import jax
import jax.numpy as jnp
from jax import lax
from jax.experimental import pallas as pl
from jax.experimental.pallas import tpu as pltpu
from jax.experimental.pallas import tpu_sc as plsc

N = 10000
E = 320000
D = 128

NC = 2
NS = 16
NW = NC * NS

CHUNK = 128
KPT = 80
NCHUNKS = NW * KPT
E_PAD = NCHUNKS * CHUNK
NPAD = N + 128

PH = 40

ROWS_T = 632
TAIL = NPAD - 15 * ROWS_T
DUMP_T = 632
DUMP_LAST = N - 15 * DUMP_T


def _sc_body(feat_hbm, src_hbm, dst_hbm, sums_out, cnts_out,
             sums_sh, cnts_sh, srcall, dstall, rows0, rows1, onesv, zcnt,
             sem_g0, sem_g1, sem_s0, sem_s1, sem_c):
    cid = lax.axis_index("c")
    sid = lax.axis_index("s")
    wid = sid * NC + cid

    zeros16 = jnp.zeros((16,), jnp.float32)
    ones16 = jnp.ones((16,), jnp.float32)

    def zr_row(r, _):
        def zr_col(j, _):
            rows0[r, pl.ds(pl.multiple_of(j * 16, 16), 16)] = zeros16
            return 0
        return lax.fori_loop(0, D // 16, zr_col, 0)

    lax.fori_loop(0, CHUNK, zr_row, 0)

    def zc(i, _):
        zcnt[pl.ds(pl.multiple_of(i * 16, 16), 16)] = zeros16
        return 0

    lax.fori_loop(0, TAIL // 16, zc, 0)

    for j in range(CHUNK // 16):
        onesv[pl.ds(j * 16, 16)] = ones16

    row0 = sid * ROWS_T
    zd = []
    for b in range(4):
        sem = sem_s0 if b % 2 == 0 else sem_s1
        zd.append(pltpu.async_copy(
            rows0, sums_sh.at[pl.ds(row0 + b * CHUNK, CHUNK)], sem))
    zd.append(pltpu.async_copy(rows0.at[pl.ds(0, 120)],
                               sums_sh.at[pl.ds(row0 + 4 * CHUNK, 120)],
                               sem_g0))
    zd.append(pltpu.async_copy(zcnt.at[pl.ds(0, ROWS_T)],
                               cnts_sh.at[pl.ds(row0, ROWS_T)], sem_g1))

    @pl.when(sid == NS - 1)
    def _():
        pltpu.sync_copy(rows0.at[pl.ds(0, 16)],
                        sums_sh.at[pl.ds(NPAD - 16, 16)])
        pltpu.sync_copy(zcnt.at[pl.ds(0, 16)],
                        cnts_sh.at[pl.ds(NPAD - 16, 16)])

    for d in zd:
        d.wait()

    plsc.subcore_barrier()

    chunk0 = wid * KPT

    def idx_at(ref, j):
        return ref.at[pl.ds(pl.multiple_of(j * CHUNK, CHUNK), CHUNK)]

    def g_start(j, rows, sem):
        pltpu.async_copy(feat_hbm.at[idx_at(srcall, j)], rows, sem)

    def g_wait(j, rows, sem):
        pltpu.make_async_copy(feat_hbm.at[idx_at(srcall, j)], rows,
                              sem).wait()

    def s_start(j, rows, sem):
        pltpu.async_copy(rows, sums_sh.at[idx_at(dstall, j)], sem, add=True)
        pltpu.async_copy(onesv, cnts_sh.at[idx_at(dstall, j)], sem_c,
                         add=True)

    def s_wait(j, rows, sem):
        pltpu.make_async_copy(rows, sums_sh.at[idx_at(dstall, j)],
                              sem).wait()

    def run_phase(pbase):
        ebase = pl.multiple_of(pbase * CHUNK, CHUNK)
        pltpu.sync_copy(src_hbm.at[pl.ds(ebase, PH * CHUNK)], srcall)
        pltpu.sync_copy(dst_hbm.at[pl.ds(ebase, PH * CHUNK)], dstall)

        g_start(0, rows0, sem_g0)

        def pair(i, _):
            j0 = 2 * i
            g_wait(j0, rows0, sem_g0)
            s_start(j0, rows0, sem_s0)

            @pl.when(i > 0)
            def _():
                s_wait(j0 - 1, rows1, sem_s1)

            g_start(j0 + 1, rows1, sem_g1)
            g_wait(j0 + 1, rows1, sem_g1)
            s_start(j0 + 1, rows1, sem_s1)
            s_wait(j0, rows0, sem_s0)

            @pl.when(j0 + 2 < PH)
            def _():
                g_start(j0 + 2, rows0, sem_g0)

            return 0

        lax.fori_loop(0, PH // 2, pair, 0)
        s_wait(PH - 1, rows1, sem_s1)

        def cdrain(j, _):
            pltpu.make_async_copy(onesv, cnts_sh.at[idx_at(dstall, j)],
                                  sem_c).wait()
            return 0

        lax.fori_loop(0, PH, cdrain, 0)

    run_phase(chunk0)
    run_phase(chunk0 + PH)

    plsc.subcore_barrier()

    out0 = cid * N + row0
    wr = {}
    for b in range(4):
        buf, sem = (rows0, sem_s0) if b % 2 == 0 else (rows1, sem_s1)
        if b >= 2:
            wr[b - 2].wait()
        pltpu.sync_copy(sums_sh.at[pl.ds(row0 + b * CHUNK, CHUNK)], buf)
        wr[b] = pltpu.async_copy(
            buf, sums_out.at[pl.ds(out0 + b * CHUNK, CHUNK)], sem)
    wr[2].wait()

    @pl.when(sid < NS - 1)
    def _():
        pltpu.sync_copy(sums_sh.at[pl.ds(row0 + 4 * CHUNK, 120)],
                        rows0.at[pl.ds(0, 120)])
        d1 = pltpu.async_copy(rows0.at[pl.ds(0, 120)],
                              sums_out.at[pl.ds(out0 + 4 * CHUNK, 120)],
                              sem_g0)
        pltpu.sync_copy(cnts_sh.at[pl.ds(row0, DUMP_T)],
                        zcnt.at[pl.ds(0, DUMP_T)])
        d2 = pltpu.async_copy(zcnt.at[pl.ds(0, DUMP_T)],
                              cnts_out.at[pl.ds(out0, DUMP_T)], sem_g1)
        d1.wait()
        d2.wait()

    @pl.when(sid == NS - 1)
    def _():
        pltpu.sync_copy(sums_sh.at[pl.ds(row0 + 4 * CHUNK, 8)],
                        rows0.at[pl.ds(0, 8)])
        d1 = pltpu.async_copy(rows0.at[pl.ds(0, 8)],
                              sums_out.at[pl.ds(out0 + 4 * CHUNK, 8)],
                              sem_g0)
        pltpu.sync_copy(cnts_sh.at[pl.ds(row0, DUMP_LAST)],
                        zcnt.at[pl.ds(0, DUMP_LAST)])
        d2 = pltpu.async_copy(zcnt.at[pl.ds(0, DUMP_LAST)],
                              cnts_out.at[pl.ds(out0, DUMP_LAST)], sem_g1)
        d1.wait()
        d2.wait()

    wr[3].wait()


_sc_scatter = functools.partial(
    pl.kernel,
    out_type=(
        jax.ShapeDtypeStruct((NC * N, D), jnp.float32),
        jax.ShapeDtypeStruct((NC * N,), jnp.float32),
    ),
    mesh=plsc.VectorSubcoreMesh(core_axis_name="c", subcore_axis_name="s"),
    scratch_types=(
        pltpu.VMEM_SHARED((NPAD, D), jnp.float32),
        pltpu.VMEM_SHARED((NPAD,), jnp.float32),
        pltpu.VMEM((PH * CHUNK,), jnp.int32),
        pltpu.VMEM((PH * CHUNK,), jnp.int32),
        pltpu.VMEM((CHUNK, D), jnp.float32),
        pltpu.VMEM((CHUNK, D), jnp.float32),
        pltpu.VMEM((CHUNK,), jnp.float32),
        pltpu.VMEM((TAIL,), jnp.float32),
        pltpu.SemaphoreType.DMA,
        pltpu.SemaphoreType.DMA,
        pltpu.SemaphoreType.DMA,
        pltpu.SemaphoreType.DMA,
        pltpu.SemaphoreType.DMA,
    ),
)(_sc_body)


BLK = 1000


def _tc_body(f_ref, w_ref, s0_ref, s1_ref, c0_ref, c1_ref, o_ref):
    w = w_ref[...]
    s = s0_ref[...] + s1_ref[...]
    cnt = c0_ref[...] + c1_ref[...]
    mean = s * (1.0 / jnp.maximum(cnt, 1.0))
    nodes = jnp.dot(f_ref[...], w, preferred_element_type=jnp.float32)
    agg = jnp.dot(mean, w, preferred_element_type=jnp.float32)
    o_ref[:, :D] = jnp.maximum(nodes, 0.0)
    o_ref[:, D:] = jnp.maximum(agg, 0.0)


def _tc_dense(features, weight, sums2, cnts2):
    return pl.pallas_call(
        _tc_body,
        grid=(N // BLK,),
        in_specs=[
            pl.BlockSpec((BLK, D), lambda i: (i, 0)),
            pl.BlockSpec((D, D), lambda i: (0, 0)),
            pl.BlockSpec((BLK, D), lambda i: (i, 0)),
            pl.BlockSpec((BLK, D), lambda i: (N // BLK + i, 0)),
            pl.BlockSpec((BLK, 1), lambda i: (i, 0)),
            pl.BlockSpec((BLK, 1), lambda i: (N // BLK + i, 0)),
        ],
        out_specs=pl.BlockSpec((BLK, 2 * D), lambda i: (i, 0)),
        out_shape=jax.ShapeDtypeStruct((N, 2 * D), jnp.float32),
    )(features, weight, sums2, sums2, cnts2, cnts2)


def kernel(features, edges, weight):
    edges = edges.astype(jnp.int32)
    npad = E_PAD - E
    spread = jnp.arange(npad, dtype=jnp.int32) % 128
    dst = jnp.concatenate([edges[0], N + spread])
    src = jnp.concatenate([edges[1], spread])
    sums2, cnts2 = _sc_scatter(features, src, dst)
    return _tc_dense(features, weight, sums2, cnts2.reshape(NC * N, 1))

# --- scband reference (transcript-rebuilt; emitter-appended) ---
"""Pipeline reference for scband-graph-conv-27951647162602 (READ-ONLY COPY).

The authoritative reference and input builder live on the scoring server;
editing this copy changes nothing except your own understanding.
"""

import jax, jax.numpy as jnp
import numpy as np

N = 10000
E = 320000
D_IN = 128
D_OUT = 128

def setup_inputs(seed: int = 0) -> dict:
    key = jax.random.key(seed)
    k1, k2, k3 = jax.random.split(key, 3)
    features = jax.random.normal(k1, (N, D_IN), dtype=jnp.float32)
    edges = jax.random.randint(k2, (2, E), 0, N).astype(jnp.int64)
    # glorot uniform init for the learned weight (in_feat, out_feat)
    limit = float(np.sqrt(6.0 / (D_IN + D_OUT)))
    weight = jax.random.uniform(k3, (D_IN, D_OUT), dtype=jnp.float32, minval=-limit, maxval=limit)
    return {"features": features, "edges": edges, "weight": weight}

def reference(features, edges, weight):
    num_nodes = features.shape[0]
    # node self-representation
    nodes_representation = jnp.matmul(features, weight)
    # gather neighbour features by source column edges[1]
    neighbour_representations = jnp.take(features, edges[1], axis=0)
    # unsorted segment mean over destination ids edges[0] (tf semantics: empty segments -> 0)
    seg = edges[0]
    sums = jax.ops.segment_sum(neighbour_representations, seg, num_segments=num_nodes)
    counts = jax.ops.segment_sum(jnp.ones((seg.shape[0], 1), dtype=jnp.float32), seg, num_segments=num_nodes)
    aggregated_messages = jnp.where(counts > 0, sums / jnp.maximum(counts, 1.0), 0.0)
    aggregated_messages = jnp.matmul(aggregated_messages, weight)
    return jax.nn.relu(jnp.concatenate([nodes_representation, aggregated_messages], axis=-1))

if __name__ == "__main__":
    import jax
    _d = setup_inputs()
    print(jax.jit(kernel)(*tuple(_d.values())))

</pallas_src>

<mosaic_0001>
#map = affine_map<(d0, d1) -> (0, 0)>
#map1 = affine_map<(d0, d1) -> (0)>
module attributes {stable_mosaic.version = 14 : i64} {
  func.func @_sc_body(%arg0: i32, %arg1: i32, %arg2: memref<10000x128xf32, #tpu.memory_space<hbm>>, %arg3: memref<327680xi32, #tpu.memory_space<hbm>>, %arg4: memref<327680xi32, #tpu.memory_space<hbm>>, %arg5: memref<20000x128xf32, #tpu.memory_space<hbm>>, %arg6: memref<20000xf32, #tpu.memory_space<hbm>>, %arg7: memref<10128x128xf32, #tpu.memory_space<vmem_shared>>, %arg8: memref<10128xf32, #tpu.memory_space<vmem_shared>>, %arg9: memref<5120xi32, #tpu.memory_space<vmem>>, %arg10: memref<5120xi32, #tpu.memory_space<vmem>>, %arg11: memref<128x128xf32, #tpu.memory_space<vmem>>, %arg12: memref<128x128xf32, #tpu.memory_space<vmem>>, %arg13: memref<128xf32, #tpu.memory_space<vmem>>, %arg14: memref<648xf32, #tpu.memory_space<vmem>>, %arg15: memref<!tpu.dma_semaphore, #tpu.memory_space<semaphore_mem>>, %arg16: memref<!tpu.dma_semaphore, #tpu.memory_space<semaphore_mem>>, %arg17: memref<!tpu.dma_semaphore, #tpu.memory_space<semaphore_mem>>, %arg18: memref<!tpu.dma_semaphore, #tpu.memory_space<semaphore_mem>>, %arg19: memref<!tpu.dma_semaphore, #tpu.memory_space<semaphore_mem>>) attributes {dimension_semantics = [#tpu.dimension_semantics<core_parallel>, #tpu.dimension_semantics<subcore_parallel>], iteration_bounds = array<i64: 2, 16>, scalar_prefetch = 0 : i64, scratch_operands = 13 : i64, tpu.core_type = #tpu.core_type<sc_vector_subcore>, window_params = [{transform_indices = #map}, {transform_indices = #map1}, {transform_indices = #map1}, {transform_indices = #map}, {transform_indices = #map1}]} {
    %mul3A = arith.constant 2 : i32
    %mul3A_0 = arith.muli %arg1, %mul3A : i32
    %add3A = arith.addi %mul3A_0, %arg0 : i32
    %broadcast_in_dim3A = arith.constant 0.000000e+00 : f32
    %broadcast_in_dim3A_1 = vector.broadcast %broadcast_in_dim3A : f32 to vector<16xf32>
    %broadcast_in_dim3A_2 = arith.constant 1.000000e+00 : f32
    %broadcast_in_dim3A_3 = vector.broadcast %broadcast_in_dim3A_2 : f32 to vector<16xf32>
    %scan3A = arith.constant 0 : i32
    %scan3A_4 = arith.constant 0 : i32
    %scan3A_5 = arith.constant 128 : i32
    %scan3A_6 = arith.addi %scan3A_4, %scan3A_5 : i32
    %scan3A_7 = arith.constant 1 : i32
    %scan3A_8 = scf.for %scan3A_246 = %scan3A_4 to %scan3A_6 step %scan3A_7 iter_args(%scan3A_247 = %scan3A) -> (i32)  : i32 {
      %scan3A_248 = arith.constant 0 : i32
      %scan3A_249 = arith.constant 0 : i32
      %scan3A_250 = arith.constant 8 : i32
      %scan3A_251 = arith.addi %scan3A_249, %scan3A_250 : i32
      %scan3A_252 = arith.constant 1 : i32
      %scan3A_253 = scf.for %scan3A_255 = %scan3A_249 to %scan3A_251 step %scan3A_252 iter_args(%scan3A_256 = %scan3A_248) -> (i32)  : i32 {
        %mul3A_257 = arith.constant 16 : i32
        %mul3A_258 = arith.muli %scan3A_255, %mul3A_257 : i32
        %multiple_of3A_259 = tpu.assume_multiple %mul3A_258, 16 : i32
        %swap3A_260 = arith.index_cast %scan3A_246 : i32 to index
        %swap3A_261 = arith.index_cast %multiple_of3A_259 : i32 to index
        %swap3A_262 = tpu.vector_load %arg11[%swap3A_260, %swap3A_261] {strides = array<i32>} : memref<128x128xf32, #tpu.memory_space<vmem>>, vector<1x16xf32>,
        %swap3A_263 = vector.shape_cast %swap3A_262 : vector<1x16xf32> to vector<16xf32>
        %swap3A_264 = vector.shape_cast %broadcast_in_dim3A_1 : vector<16xf32> to vector<1x16xf32>
        tpu.vector_store %arg11[%swap3A_260, %swap3A_261], %swap3A_264 {strides = array<i32>} : memref<128x128xf32, #tpu.memory_space<vmem>>, vector<1x16xf32>,
        %scan3A_265 = arith.constant 0 : i32
        scf.yield %scan3A_265 : i32
      }
      %scan3A_254 = arith.constant 8 : i32
      scf.yield %scan3A_253 : i32
    }
    %scan3A_9 = arith.constant 128 : i32
    %scan3A_10 = arith.constant 0 : i32
    %scan3A_11 = arith.constant 0 : i32
    %scan3A_12 = arith.constant 40 : i32
    %scan3A_13 = arith.addi %scan3A_11, %scan3A_12 : i32
    %scan3A_14 = arith.constant 1 : i32
    %scan3A_15 = scf.for %scan3A_246 = %scan3A_11 to %scan3A_13 step %scan3A_14 iter_args(%scan3A_247 = %scan3A_10) -> (i32)  : i32 {
      %mul3A_248 = arith.constant 16 : i32
      %mul3A_249 = arith.muli %scan3A_246, %mul3A_248 : i32
      %multiple_of3A_250 = tpu.assume_multiple %mul3A_249, 16 : i32
      %swap3A_251 = arith.index_cast %multiple_of3A_250 : i32 to index
      %swap3A_252 = tpu.vector_load %arg14[%swap3A_251] {strides = array<i32>} : memref<648xf32, #tpu.memory_space<vmem>>, vector<16xf32>,
      %swap3A_253 = vector.shape_cast %swap3A_252 : vector<16xf32> to vector<16xf32>
      %swap3A_254 = vector.shape_cast %broadcast_in_dim3A_1 : vector<16xf32> to vector<16xf32>
      tpu.vector_store %arg14[%swap3A_251], %swap3A_254 {strides = array<i32>} : memref<648xf32, #tpu.memory_space<vmem>>, vector<16xf32>,
      %scan3A_255 = arith.constant 0 : i32
      scf.yield %scan3A_255 : i32
    }
    %scan3A_16 = arith.constant 40 : i32
    %swap3A = arith.constant 0 : index
    %swap3A_17 = tpu.vector_load %arg13[%swap3A] {strides = array<i32>} : memref<128xf32, #tpu.memory_space<vmem>>, vector<16xf32>,
    %swap3A_18 = vector.shape_cast %swap3A_17 : vector<16xf32> to vector<16xf32>
    %swap3A_19 = vector.shape_cast %broadcast_in_dim3A_3 : vector<16xf32> to vector<16xf32>
    tpu.vector_store %arg13[%swap3A], %swap3A_19 {strides = array<i32>} : memref<128xf32, #tpu.memory_space<vmem>>, vector<16xf32>,
    %swap3A_20 = arith.constant 16 : index
    %swap3A_21 = tpu.vector_load %arg13[%swap3A_20] {strides = array<i32>} : memref<128xf32, #tpu.memory_space<vmem>>, vector<16xf32>,
    %swap3A_22 = vector.shape_cast %swap3A_21 : vector<16xf32> to vector<16xf32>
    %swap3A_23 = vector.shape_cast %broadcast_in_dim3A_3 : vector<16xf32> to vector<16xf32>
    tpu.vector_store %arg13[%swap3A_20], %swap3A_23 {strides = array<i32>} : memref<128xf32, #tpu.memory_space<vmem>>, vector<16xf32>,
    %swap3A_24 = arith.constant 32 : index
    %swap3A_25 = tpu.vector_load %arg13[%swap3A_24] {strides = array<i32>} : memref<128xf32, #tpu.memory_space<vmem>>, vector<16xf32>,
    %swap3A_26 = vector.shape_cast %swap3A_25 : vector<16xf32> to vector<16xf32>
    %swap3A_27 = vector.shape_cast %broadcast_in_dim3A_3 : vector<16xf32> to vector<16xf32>
    tpu.vector_store %arg13[%swap3A_24], %swap3A_27 {strides = array<i32>} : memref<128xf32, #tpu.memory_space<vmem>>, vector<16xf32>,
    %swap3A_28 = arith.constant 48 : index
    %swap3A_29 = tpu.vector_load %arg13[%swap3A_28] {strides = array<i32>} : memref<128xf32, #tpu.memory_space<vmem>>, vector<16xf32>,
    %swap3A_30 = vector.shape_cast %swap3A_29 : vector<16xf32> to vector<16xf32>
    %swap3A_31 = vector.shape_cast %broadcast_in_dim3A_3 : vector<16xf32> to vector<16xf32>
    tpu.vector_store %arg13[%swap3A_28], %swap3A_31 {strides = array<i32>} : memref<128xf32, #tpu.memory_space<vmem>>, vector<16xf32>,
    %swap3A_32 = arith.constant 64 : index
    %swap3A_33 = tpu.vector_load %arg13[%swap3A_32] {strides = array<i32>} : memref<128xf32, #tpu.memory_space<vmem>>, vector<16xf32>,
    %swap3A_34 = vector.shape_cast %swap3A_33 : vector<16xf32> to vector<16xf32>
    %swap3A_35 = vector.shape_cast %broadcast_in_dim3A_3 : vector<16xf32> to vector<16xf32>
    tpu.vector_store %arg13[%swap3A_32], %swap3A_35 {strides = array<i32>} : memref<128xf32, #tpu.memory_space<vmem>>, vector<16xf32>,
    %swap3A_36 = arith.constant 80 : index
    %swap3A_37 = tpu.vector_load %arg13[%swap3A_36] {strides = array<i32>} : memref<128xf32, #tpu.memory_space<vmem>>, vector<16xf32>,
    %swap3A_38 = vector.shape_cast %swap3A_37 : vector<16xf32> to vector<16xf32>
    %swap3A_39 = vector.shape_cast %broadcast_in_dim3A_3 : vector<16xf32> to vector<16xf32>
    tpu.vector_store %arg13[%swap3A_36], %swap3A_39 {strides = array<i32>} : memref<128xf32, #tpu.memory_space<vmem>>, vector<16xf32>,
    %swap3A_40 = arith.constant 96 : index
    %swap3A_41 = tpu.vector_load %arg13[%swap3A_40] {strides = array<i32>} : memref<128xf32, #tpu.memory_space<vmem>>, vector<16xf32>,
    %swap3A_42 = vector.shape_cast %swap3A_41 : vector<16xf32> to vector<16xf32>
    %swap3A_43 = vector.shape_cast %broadcast_in_dim3A_3 : vector<16xf32> to vector<16xf32>
    tpu.vector_store %arg13[%swap3A_40], %swap3A_43 {strides = array<i32>} : memref<128xf32, #tpu.memory_space<vmem>>, vector<16xf32>,
    %swap3A_44 = arith.constant 112 : index
    %swap3A_45 = tpu.vector_load %arg13[%swap3A_44] {strides = array<i32>} : memref<128xf32, #tpu.memory_space<vmem>>, vector<16xf32>,
    %swap3A_46 = vector.shape_cast %swap3A_45 : vector<16xf32> to vector<16xf32>
    %swap3A_47 = vector.shape_cast %broadcast_in_dim3A_3 : vector<16xf32> to vector<16xf32>
    tpu.vector_store %arg13[%swap3A_44], %swap3A_47 {strides = array<i32>} : memref<128xf32, #tpu.memory_space<vmem>>, vector<16xf32>,
    %mul3A_48 = arith.constant 632 : i32
    %mul3A_49 = arith.muli %arg1, %mul3A_48 : i32
    %add3A_50 = arith.constant 0 : i32
    %add3A_51 = arith.addi %mul3A_49, %add3A_50 : i32
    %dma_start3A = arith.constant 0 : i32
    %dma_start3A_52 = tpu.memref_slice %arg7[%add3A_51, %dma_start3A] : memref<10128x128xf32, #tpu.memory_space<vmem_shared>> -> memref<128x128xf32, #tpu.memory_space<vmem_shared>>
    %dma_start3A_53 = arith.constant 0 : i32
    %dma_start3A_54 = tpu.memref_slice %arg7[%add3A_51, %dma_start3A_53] : memref<10128x128xf32, #tpu.memory_space<vmem_shared>> -> memref<128x128xf32, #tpu.memory_space<vmem_shared>>
    tpu.enqueue_dma source(%arg11 : memref<128x128xf32, #tpu.memory_space<vmem>>) target(%dma_start3A_54 : memref<128x128xf32, #tpu.memory_space<vmem_shared>>) target_semaphore(%arg17 : memref<!tpu.dma_semaphore, #tpu.memory_space<semaphore_mem>>)
    %add3A_55 = arith.constant 128 : i32
    %add3A_56 = arith.addi %mul3A_49, %add3A_55 : i32
    %dma_start3A_57 = arith.constant 0 : i32
    %dma_start3A_58 = tpu.memref_slice %arg7[%add3A_56, %dma_start3A_57] : memref<10128x128xf32, #tpu.memory_space<vmem_shared>> -> memref<128x128xf32, #tpu.memory_space<vmem_shared>>
    %dma_start3A_59 = arith.constant 0 : i32
    %dma_start3A_60 = tpu.memref_slice %arg7[%add3A_56, %dma_start3A_59] : memref<10128x128xf32, #tpu.memory_space<vmem_shared>> -> memref<128x128xf32, #tpu.memory_space<vmem_shared>>
    tpu.enqueue_dma source(%arg11 : memref<128x128xf32, #tpu.memory_space<vmem>>) target(%dma_start3A_60 : memref<128x128xf32, #tpu.memory_space<vmem_shared>>) target_semaphore(%arg18 : memref<!tpu.dma_semaphore, #tpu.memory_space<semaphore_mem>>)
    %add3A_61 = arith.constant 256 : i32
    %add3A_62 = arith.addi %mul3A_49, %add3A_61 : i32
    %dma_start3A_63 = arith.constant 0 : i32
    %dma_start3A_64 = tpu.memref_slice %arg7[%add3A_62, %dma_start3A_63] : memref<10128x128xf32, #tpu.memory_space<vmem_shared>> -> memref<128x128xf32, #tpu.memory_space<vmem_shared>>
    %dma_start3A_65 = arith.constant 0 : i32
    %dma_start3A_66 = tpu.memref_slice %arg7[%add3A_62, %dma_start3A_65] : memref<10128x128xf32, #tpu.memory_space<vmem_shared>> -> memref<128x128xf32, #tpu.memory_space<vmem_shared>>
    tpu.enqueue_dma source(%arg11 : memref<128x128xf32, #tpu.memory_space<vmem>>) target(%dma_start3A_66 : memref<128x128xf32, #tpu.memory_space<vmem_shared>>) target_semaphore(%arg17 : memref<!tpu.dma_semaphore, #tpu.memory_space<semaphore_mem>>)
    %add3A_67 = arith.constant 384 : i32
    %add3A_68 = arith.addi %mul3A_49, %add3A_67 : i32
    %dma_start3A_69 = arith.constant 0 : i32
    %dma_start3A_70 = tpu.memref_slice %arg7[%add3A_68, %dma_start3A_69] : memref<10128x128xf32, #tpu.memory_space<vmem_shared>> -> memref<128x128xf32, #tpu.memory_space<vmem_shared>>
    %dma_start3A_71 = arith.constant 0 : i32
    %dma_start3A_72 = tpu.memref_slice %arg7[%add3A_68, %dma_start3A_71] : memref<10128x128xf32, #tpu.memory_space<vmem_shared>> -> memref<128x128xf32, #tpu.memory_space<vmem_shared>>
    tpu.enqueue_dma source(%arg11 : memref<128x128xf32, #tpu.memory_space<vmem>>) target(%dma_start3A_72 : memref<128x128xf32, #tpu.memory_space<vmem_shared>>) target_semaphore(%arg18 : memref<!tpu.dma_semaphore, #tpu.memory_space<semaphore_mem>>)
    %add3A_73 = arith.constant 512 : i32
    %add3A_74 = arith.addi %mul3A_49, %add3A_73 : i32
    %dma_start3A_75 = arith.constant 0 : i32
    %dma_start3A_76 = arith.constant 0 : i32
    %dma_start3A_77 = tpu.memref_slice %arg11[%dma_start3A_75, %dma_start3A_76] : memref<128x128xf32, #tpu.memory_space<vmem>> -> memref<120x128xf32, #tpu.memory_space<vmem>>
    %dma_start3A_78 = arith.constant 0 : i32
    %dma_start3A_79 = tpu.memref_slice %arg7[%add3A_74, %dma_start3A_78] : memref<10128x128xf32, #tpu.memory_space<vmem_shared>> -> memref<120x128xf32, #tpu.memory_space<vmem_shared>>
    %dma_start3A_80 = arith.constant 0 : i32
    %dma_start3A_81 = tpu.memref_slice %arg7[%add3A_74, %dma_start3A_80] : memref<10128x128xf32, #tpu.memory_space<vmem_shared>> -> memref<120x128xf32, #tpu.memory_space<vmem_shared>>
    %dma_start3A_82 = arith.constant 0 : i32
    %dma_start3A_83 = arith.constant 0 : i32
    %dma_start3A_84 = tpu.memref_slice %arg11[%dma_start3A_82, %dma_start3A_83] : memref<128x128xf32, #tpu.memory_space<vmem>> -> memref<120x128xf32, #tpu.memory_space<vmem>>
    tpu.enqueue_dma source(%dma_start3A_84 : memref<120x128xf32, #tpu.memory_space<vmem>>) target(%dma_start3A_81 : memref<120x128xf32, #tpu.memory_space<vmem_shared>>) target_semaphore(%arg15 : memref<!tpu.dma_semaphore, #tpu.memory_space<semaphore_mem>>)
    %dma_start3A_85 = arith.constant 0 : i32
    %dma_start3A_86 = tpu.memref_slice %arg14[%dma_start3A_85] : memref<648xf32, #tpu.memory_space<vmem>> -> memref<632xf32, #tpu.memory_space<vmem>>
    %dma_start3A_87 = tpu.memref_slice %arg8[%mul3A_49] : memref<10128xf32, #tpu.memory_space<vmem_shared>> -> memref<632xf32, #tpu.memory_space<vmem_shared>>
    %dma_start3A_88 = tpu.memref_slice %arg8[%mul3A_49] : memref<10128xf32, #tpu.memory_space<vmem_shared>> -> memref<632xf32, #tpu.memory_space<vmem_shared>>
    %dma_start3A_89 = arith.constant 0 : i32
    %dma_start3A_90 = tpu.memref_slice %arg14[%dma_start3A_89] : memref<648xf32, #tpu.memory_space<vmem>> -> memref<632xf32, #tpu.memory_space<vmem>>
    tpu.enqueue_dma source(%dma_start3A_90 : memref<632xf32, #tpu.memory_space<vmem>>) target(%dma_start3A_88 : memref<632xf32, #tpu.memory_space<vmem_shared>>) target_semaphore(%arg16 : memref<!tpu.dma_semaphore, #tpu.memory_space<semaphore_mem>>)
    %eq3A = arith.constant 15 : i32
    %eq3A_91 = arith.cmpi eq, %arg1, %eq3A : i32
    %convert_element_type3A = arith.extui %eq3A_91 : i1 to i32
    %cond3A = arith.constant 0 : i32
    %cond3A_92 = arith.cmpi ne, %convert_element_type3A, %cond3A : i32
    scf.if %cond3A_92 {
      "tpu.region"() ({
        %run_scoped3A = tpu.sem_alloc : memref<!tpu.dma_semaphore, #tpu.memory_space<semaphore_mem>>
        %dma_start3A_246 = arith.constant 0 : i32
        %dma_start3A_247 = arith.constant 0 : i32
        %dma_start3A_248 = tpu.memref_slice %arg11[%dma_start3A_246, %dma_start3A_247] : memref<128x128xf32, #tpu.memory_space<vmem>> -> memref<16x128xf32, #tpu.memory_space<vmem>>
        %dma_start3A_249 = arith.constant 10112 : i32
        %dma_start3A_250 = arith.constant 0 : i32
        %dma_start3A_251 = tpu.memref_slice %arg7[%dma_start3A_249, %dma_start3A_250] : memref<10128x128xf32, #tpu.memory_space<vmem_shared>> -> memref<16x128xf32, #tpu.memory_space<vmem_shared>>
        %dma_start3A_252 = arith.constant 10112 : i32
        %dma_start3A_253 = arith.constant 0 : i32
        %dma_start3A_254 = tpu.memref_slice %arg7[%dma_start3A_252, %dma_start3A_253] : memref<10128x128xf32, #tpu.memory_space<vmem_shared>> -> memref<16x128xf32, #tpu.memory_space<vmem_shared>>
        %dma_start3A_255 = arith.constant 0 : i32
        %dma_start3A_256 = arith.constant 0 : i32
        %dma_start3A_257 = tpu.memref_slice %arg11[%dma_start3A_255, %dma_start3A_256] : memref<128x128xf32, #tpu.memory_space<vmem>> -> memref<16x128xf32, #tpu.memory_space<vmem>>
        tpu.enqueue_dma source(%dma_start3A_257 : memref<16x128xf32, #tpu.memory_space<vmem>>) target(%dma_start3A_254 : memref<16x128xf32, #tpu.memory_space<vmem_shared>>) target_semaphore(%run_scoped3A : memref<!tpu.dma_semaphore, #tpu.memory_space<semaphore_mem>>)
        %dma_wait3A_258 = arith.constant 0 : i32
        %dma_wait3A_259 = arith.constant 0 : i32
        %dma_wait3A_260 = tpu.memref_slice %arg11[%dma_wait3A_258, %dma_wait3A_259] : memref<128x128xf32, #tpu.memory_space<vmem>> -> memref<16x128xf32, #tpu.memory_space<vmem>>
        %dma_wait3A_261 = arith.constant 10112 : i32
        %dma_wait3A_262 = arith.constant 0 : i32
        %dma_wait3A_263 = tpu.memref_slice %arg7[%dma_wait3A_261, %dma_wait3A_262] : memref<10128x128xf32, #tpu.memory_space<vmem_shared>> -> memref<16x128xf32, #tpu.memory_space<vmem_shared>>
        %dma_wait3A_264 = arith.constant 10112 : i32
        %dma_wait3A_265 = arith.constant 0 : i32
        %dma_wait3A_266 = tpu.memref_slice %arg7[%dma_wait3A_264, %dma_wait3A_265] : memref<10128x128xf32, #tpu.memory_space<vmem_shared>> -> memref<16x128xf32, #tpu.memory_space<vmem_shared>>
        %dma_wait3A_267 = arith.constant 0 : i32
        %dma_wait3A_268 = arith.constant 0 : i32
        %dma_wait3A_269 = tpu.memref_slice %arg11[%dma_wait3A_267, %dma_wait3A_268] : memref<128x128xf32, #tpu.memory_space<vmem>> -> memref<16x128xf32, #tpu.memory_space<vmem>>
        tpu.wait_dma2 semaphore(%run_scoped3A : memref<!tpu.dma_semaphore, #tpu.memory_space<semaphore_mem>>) src(%dma_wait3A_269 : memref<16x128xf32, #tpu.memory_space<vmem>>) dst(%dma_wait3A_266 : memref<16x128xf32, #tpu.memory_space<vmem_shared>>)
        tpu.yield
      }) : () -> ()
      "tpu.region"() ({
        %run_scoped3A = tpu.sem_alloc : memref<!tpu.dma_semaphore, #tpu.memory_space<semaphore_mem>>
        %dma_start3A_246 = arith.constant 0 : i32
        %dma_start3A_247 = tpu.memref_slice %arg14[%dma_start3A_246] : memref<648xf32, #tpu.memory_space<vmem>> -> memref<16xf32, #tpu.memory_space<vmem>>
        %dma_start3A_248 = arith.constant 10112 : i32
        %dma_start3A_249 = tpu.memref_slice %arg8[%dma_start3A_248] : memref<10128xf32, #tpu.memory_space<vmem_shared>> -> memref<16xf32, #tpu.memory_space<vmem_shared>>
        %dma_start3A_250 = arith.constant 10112 : i32
        %dma_start3A_251 = tpu.memref_slice %arg8[%dma_start3A_250] : memref<10128xf32, #tpu.memory_space<vmem_shared>> -> memref<16xf32, #tpu.memory_space<vmem_shared>>
        %dma_start3A_252 = arith.constant 0 : i32
        %dma_start3A_253 = tpu.memref_slice %arg14[%dma_start3A_252] : memref<648xf32, #tpu.memory_space<vmem>> -> memref<16xf32, #tpu.memory_space<vmem>>
        tpu.enqueue_dma source(%dma_start3A_253 : memref<16xf32, #tpu.memory_space<vmem>>) target(%dma_start3A_251 : memref<16xf32, #tpu.memory_space<vmem_shared>>) target_semaphore(%run_scoped3A : memref<!tpu.dma_semaphore, #tpu.memory_space<semaphore_mem>>)
        %dma_wait3A_254 = arith.constant 0 : i32
        %dma_wait3A_255 = tpu.memref_slice %arg14[%dma_wait3A_254] : memref<648xf32, #tpu.memory_space<vmem>> -> memref<16xf32, #tpu.memory_space<vmem>>
        %dma_wait3A_256 = arith.constant 10112 : i32
        %dma_wait3A_257 = tpu.memref_slice %arg8[%dma_wait3A_256] : memref<10128xf32, #tpu.memory_space<vmem_shared>> -> memref<16xf32, #tpu.memory_space<vmem_shared>>
        %dma_wait3A_258 = arith.constant 10112 : i32
        %dma_wait3A_259 = tpu.memref_slice %arg8[%dma_wait3A_258] : memref<10128xf32, #tpu.memory_space<vmem_shared>> -> memref<16xf32, #tpu.memory_space<vmem_shared>>
        %dma_wait3A_260 = arith.constant 0 : i32
        %dma_wait3A_261 = tpu.memref_slice %arg14[%dma_wait3A_260] : memref<648xf32, #tpu.memory_space<vmem>> -> memref<16xf32, #tpu.memory_space<vmem>>
        tpu.wait_dma2 semaphore(%run_scoped3A : memref<!tpu.dma_semaphore, #tpu.memory_space<semaphore_mem>>) src(%dma_wait3A_261 : memref<16xf32, #tpu.memory_space<vmem>>) dst(%dma_wait3A_259 : memref<16xf32, #tpu.memory_space<vmem_shared>>)
        tpu.yield
      }) : () -> ()
    } else {
    }
    %dma_wait3A = arith.constant 0 : i32
    %dma_wait3A_93 = tpu.memref_slice %arg7[%add3A_51, %dma_wait3A] : memref<10128x128xf32, #tpu.memory_space<vmem_shared>> -> memref<128x128xf32, #tpu.memory_space<vmem_shared>>
    %dma_wait3A_94 = arith.constant 0 : i32
    %dma_wait3A_95 = tpu.memref_slice %arg7[%add3A_51, %dma_wait3A_94] : memref<10128x128xf32, #tpu.memory_space<vmem_shared>> -> memref<128x128xf32, #tpu.memory_space<vmem_shared>>
    tpu.wait_dma2 semaphore(%arg17 : memref<!tpu.dma_semaphore, #tpu.memory_space<semaphore_mem>>) src(%arg11 : memref<128x128xf32, #tpu.memory_space<vmem>>) dst(%dma_wait3A_95 : memref<128x128xf32, #tpu.memory_space<vmem_shared>>)
    %dma_wait3A_96 = arith.constant 0 : i32
    %dma_wait3A_97 = tpu.memref_slice %arg7[%add3A_56, %dma_wait3A_96] : memref<10128x128xf32, #tpu.memory_space<vmem_shared>> -> memref<128x128xf32, #tpu.memory_space<vmem_shared>>
    %dma_wait3A_98 = arith.constant 0 : i32
    %dma_wait3A_99 = tpu.memref_slice %arg7[%add3A_56, %dma_wait3A_98] : memref<10128x128xf32, #tpu.memory_space<vmem_shared>> -> memref<128x128xf32, #tpu.memory_space<vmem_shared>>
    tpu.wait_dma2 semaphore(%arg18 : memref<!tpu.dma_semaphore, #tpu.memory_space<semaphore_mem>>) src(%arg11 : memref<128x128xf32, #tpu.memory_space<vmem>>) dst(%dma_wait3A_99 : memref<128x128xf32, #tpu.memory_space<vmem_shared>>)
    %dma_wait3A_100 = arith.constant 0 : i32
    %dma_wait3A_101 = tpu.memref_slice %arg7[%add3A_62, %dma_wait3A_100] : memref<10128x128xf32, #tpu.memory_space<vmem_shared>> -> memref<128x128xf32, #tpu.memory_space<vmem_shared>>
    %dma_wait3A_102 = arith.constant 0 : i32
    %dma_wait3A_103 = tpu.memref_slice %arg7[%add3A_62, %dma_wait3A_102] : memref<10128x128xf32, #tpu.memory_space<vmem_shared>> -> memref<128x128xf32, #tpu.memory_space<vmem_shared>>
    tpu.wait_dma2 semaphore(%arg17 : memref<!tpu.dma_semaphore, #tpu.memory_space<semaphore_mem>>) src(%arg11 : memref<128x128xf32, #tpu.memory_space<vmem>>) dst(%dma_wait3A_103 : memref<128x128xf32, #tpu.memory_space<vmem_shared>>)
    %dma_wait3A_104 = arith.constant 0 : i32
    %dma_wait3A_105 = tpu.memref_slice %arg7[%add3A_68, %dma_wait3A_104] : memref<10128x128xf32, #tpu.memory_space<vmem_shared>> -> memref<128x128xf32, #tpu.memory_space<vmem_shared>>
    %dma_wait3A_106 = arith.constant 0 : i32
    %dma_wait3A_107 = tpu.memref_slice %arg7[%add3A_68, %dma_wait3A_106] : memref<10128x128xf32, #tpu.memory_space<vmem_shared>> -> memref<128x128xf32, #tpu.memory_space<vmem_shared>>
    tpu.wait_dma2 semaphore(%arg18 : memref<!tpu.dma_semaphore, #tpu.memory_space<semaphore_mem>>) src(%arg11 : memref<128x128xf32, #tpu.memory_space<vmem>>) dst(%dma_wait3A_107 : memref<128x128xf32, #tpu.memory_space<vmem_shared>>)
    %dma_wait3A_108 = arith.constant 0 : i32
    %dma_wait3A_109 = arith.constant 0 : i32
    %dma_wait3A_110 = tpu.memref_slice %arg11[%dma_wait3A_108, %dma_wait3A_109] : memref<128x128xf32, #tpu.memory_space<vmem>> -> memref<120x128xf32, #tpu.memory_space<vmem>>
    %dma_wait3A_111 = arith.constant 0 : i32
    %dma_wait3A_112 = tpu.memref_slice %arg7[%add3A_74, %dma_wait3A_111] : memref<10128x128xf32, #tpu.memory_space<vmem_shared>> -> memref<120x128xf32, #tpu.memory_space<vmem_shared>>
    %dma_wait3A_113 = arith.constant 0 : i32
    %dma_wait3A_114 = tpu.memref_slice %arg7[%add3A_74, %dma_wait3A_113] : memref<10128x128xf32, #tpu.memory_space<vmem_shared>> -> memref<120x128xf32, #tpu.memory_space<vmem_shared>>
    %dma_wait3A_115 = arith.constant 0 : i32
    %dma_wait3A_116 = arith.constant 0 : i32
    %dma_wait3A_117 = tpu.memref_slice %arg11[%dma_wait3A_115, %dma_wait3A_116] : memref<128x128xf32, #tpu.memory_space<vmem>> -> memref<120x128xf32, #tpu.memory_space<vmem>>
    tpu.wait_dma2 semaphore(%arg15 : memref<!tpu.dma_semaphore, #tpu.memory_space<semaphore_mem>>) src(%dma_wait3A_117 : memref<120x128xf32, #tpu.memory_space<vmem>>) dst(%dma_wait3A_114 : memref<120x128xf32, #tpu.memory_space<vmem_shared>>)
    %dma_wait3A_118 = arith.constant 0 : i32
    %dma_wait3A_119 = tpu.memref_slice %arg14[%dma_wait3A_118] : memref<648xf32, #tpu.memory_space<vmem>> -> memref<632xf32, #tpu.memory_space<vmem>>
    %dma_wait3A_120 = tpu.memref_slice %arg8[%mul3A_49] : memref<10128xf32, #tpu.memory_space<vmem_shared>> -> memref<632xf32, #tpu.memory_space<vmem_shared>>
    %dma_wait3A_121 = tpu.memref_slice %arg8[%mul3A_49] : memref<10128xf32, #tpu.memory_space<vmem_shared>> -> memref<632xf32, #tpu.memory_space<vmem_shared>>
    %dma_wait3A_122 = arith.constant 0 : i32
    %dma_wait3A_123 = tpu.memref_slice %arg14[%dma_wait3A_122] : memref<648xf32, #tpu.memory_space<vmem>> -> memref<632xf32, #tpu.memory_space<vmem>>
    tpu.wait_dma2 semaphore(%arg16 : memref<!tpu.dma_semaphore, #tpu.memory_space<semaphore_mem>>) src(%dma_wait3A_123 : memref<632xf32, #tpu.memory_space<vmem>>) dst(%dma_wait3A_121 : memref<632xf32, #tpu.memory_space<vmem_shared>>)
    %barrier3A = arith.constant 0 : index
    tpu.barrier barrier_id(%barrier3A)
    %mul3A_124 = arith.constant 80 : i32
    %mul3A_125 = arith.muli %add3A, %mul3A_124 : i32
    %mul3A_126 = arith.constant 128 : i32
    %mul3A_127 = arith.muli %mul3A_125, %mul3A_126 : i32
    %multiple_of3A = tpu.assume_multiple %mul3A_127, 128 : i32
    "tpu.region"() ({
      %run_scoped3A = tpu.sem_alloc : memref<!tpu.dma_semaphore, #tpu.memory_space<semaphore_mem>>
      %dma_start3A_246 = tpu.memref_slice %arg3[%multiple_of3A] : memref<327680xi32, #tpu.memory_space<hbm>> -> memref<5120xi32, #tpu.memory_space<hbm>>
      %dma_start3A_247 = tpu.memref_slice %arg3[%multiple_of3A] : memref<327680xi32, #tpu.memory_space<hbm>> -> memref<5120xi32, #tpu.memory_space<hbm>>
      tpu.enqueue_dma source(%dma_start3A_247 : memref<5120xi32, #tpu.memory_space<hbm>>) target(%arg9 : memref<5120xi32, #tpu.memory_space<vmem>>) target_semaphore(%run_scoped3A : memref<!tpu.dma_semaphore, #tpu.memory_space<semaphore_mem>>)
      %dma_wait3A_248 = tpu.memref_slice %arg3[%multiple_of3A] : memref<327680xi32, #tpu.memory_space<hbm>> -> memref<5120xi32, #tpu.memory_space<hbm>>
      %dma_wait3A_249 = tpu.memref_slice %arg3[%multiple_of3A] : memref<327680xi32, #tpu.memory_space<hbm>> -> memref<5120xi32, #tpu.memory_space<hbm>>
      tpu.wait_dma2 semaphore(%run_scoped3A : memref<!tpu.dma_semaphore, #tpu.memory_space<semaphore_mem>>) src(%dma_wait3A_249 : memref<5120xi32, #tpu.memory_space<hbm>>) dst(%arg9 : memref<5120xi32, #tpu.memory_space<vmem>>)
      tpu.yield
    }) : () -> ()
    "tpu.region"() ({
      %run_scoped3A = tpu.sem_alloc : memref<!tpu.dma_semaphore, #tpu.memory_space<semaphore_mem>>
      %dma_start3A_246 = tpu.memref_slice %arg4[%multiple_of3A] : memref<327680xi32, #tpu.memory_space<hbm>> -> memref<5120xi32, #tpu.memory_space<hbm>>
      %dma_start3A_247 = tpu.memref_slice %arg4[%multiple_of3A] : memref<327680xi32, #tpu.memory_space<hbm>> -> memref<5120xi32, #tpu.memory_space<hbm>>
      tpu.enqueue_dma source(%dma_start3A_247 : memref<5120xi32, #tpu.memory_space<hbm>>) target(%arg10 : memref<5120xi32, #tpu.memory_space<vmem>>) target_semaphore(%run_scoped3A : memref<!tpu.dma_semaphore, #tpu.memory_space<semaphore_mem>>)
      %dma_wait3A_248 = tpu.memref_slice %arg4[%multiple_of3A] : memref<327680xi32, #tpu.memory_space<hbm>> -> memref<5120xi32, #tpu.memory_space<hbm>>
      %dma_wait3A_249 = tpu.memref_slice %arg4[%multiple_of3A] : memref<327680xi32, #tpu.memory_space<hbm>> -> memref<5120xi32, #tpu.memory_space<hbm>>
      tpu.wait_dma2 semaphore(%run_scoped3A : memref<!tpu.dma_semaphore, #tpu.memory_space<semaphore_mem>>) src(%dma_wait3A_249 : memref<5120xi32, #tpu.memory_space<hbm>>) dst(%arg10 : memref<5120xi32, #tpu.memory_space<vmem>>)
      tpu.yield
    }) : () -> ()
    %multiple_of3A_128 = arith.constant 0 : i32
    %multiple_of3A_129 = tpu.assume_multiple %multiple_of3A_128, 128 : i32
    %dma_start3A_130 = tpu.memref_slice %arg9[%multiple_of3A_129] : memref<5120xi32, #tpu.memory_space<vmem>> -> memref<128xi32, #tpu.memory_space<vmem>>
    %dma_start3A_131 = arith.constant 0 : i32
    %dma_start3A_132 = arith.constant 0 : i32
    %dma_start3A_133 = tpu.memref_slice %arg2[%dma_start3A_131, %dma_start3A_132] : memref<10000x128xf32, #tpu.memory_space<hbm>> -> memref<10000x128xf32, #tpu.memory_space<hbm>>
    tpu.enqueue_indirect_dma source(%dma_start3A_133 : memref<10000x128xf32, #tpu.memory_space<hbm>>) target(%arg11 : memref<128x128xf32, #tpu.memory_space<vmem>>) offsets(%dma_start3A_130 : memref<128xi32, #tpu.memory_space<vmem>>) semaphore(%arg15 : memref<!tpu.dma_semaphore, #tpu.memory_space<semaphore_mem>>)
    %scan3A_134 = arith.constant 0 : i32
    %scan3A_135 = arith.constant 0 : i32
    %scan3A_136 = arith.constant 20 : i32
    %scan3A_137 = arith.addi %scan3A_135, %scan3A_136 : i32
    %scan3A_138 = arith.constant 1 : i32
    %scan3A_139 = scf.for %scan3A_246 = %scan3A_135 to %scan3A_137 step %scan3A_138 iter_args(%scan3A_247 = %scan3A_134) -> (i32)  : i32 {
      %mul3A_248 = arith.constant 2 : i32
      %mul3A_249 = arith.muli %mul3A_248, %scan3A_246 : i32
      %mul3A_250 = arith.constant 128 : i32
      %mul3A_251 = arith.muli %mul3A_249, %mul3A_250 : i32
      %multiple_of3A_252 = tpu.assume_multiple %mul3A_251, 128 : i32
      %dma_wait3A_253 = tpu.memref_slice %arg9[%multiple_of3A_252] : memref<5120xi32, #tpu.memory_space<vmem>> -> memref<128xi32, #tpu.memory_space<vmem>>
      %dma_wait3A_254 = arith.constant 0 : i32
      %dma_wait3A_255 = arith.constant 0 : i32
      %dma_wait3A_256 = tpu.memref_slice %arg2[%dma_wait3A_254, %dma_wait3A_255] : memref<10000x128xf32, #tpu.memory_space<hbm>> -> memref<10000x128xf32, #tpu.memory_space<hbm>>
      tpu.wait_indirect_dma semaphore(%arg15 : memref<!tpu.dma_semaphore, #tpu.memory_space<semaphore_mem>>) src(%dma_wait3A_256 : memref<10000x128xf32, #tpu.memory_space<hbm>>) dst(%arg11 : memref<128x128xf32, #tpu.memory_space<vmem>>)
      %mul3A_257 = arith.constant 128 : i32
      %mul3A_258 = arith.muli %mul3A_249, %mul3A_257 : i32
      %multiple_of3A_259 = tpu.assume_multiple %mul3A_258, 128 : i32
      %dma_start3A_260 = tpu.memref_slice %arg10[%multiple_of3A_259] : memref<5120xi32, #tpu.memory_space<vmem>> -> memref<128xi32, #tpu.memory_space<vmem>>
      %dma_start3A_261 = arith.constant 0 : i32
      %dma_start3A_262 = arith.constant 0 : i32
      %dma_start3A_263 = tpu.memref_slice %arg7[%dma_start3A_261, %dma_start3A_262] : memref<10128x128xf32, #tpu.memory_space<vmem_shared>> -> memref<10128x128xf32, #tpu.memory_space<vmem_shared>>
      tpu.enqueue_indirect_dma source(%arg11 : memref<128x128xf32, #tpu.memory_space<vmem>>) target(%dma_start3A_263 : memref<10128x128xf32, #tpu.memory_space<vmem_shared>>) offsets(%dma_start3A_260 : memref<128xi32, #tpu.memory_space<vmem>>) semaphore(%arg17 : memref<!tpu.dma_semaphore, #tpu.memory_space<semaphore_mem>>) {add = true}
      %mul3A_264 = arith.constant 128 : i32
      %mul3A_265 = arith.muli %mul3A_249, %mul3A_264 : i32
      %multiple_of3A_266 = tpu.assume_multiple %mul3A_265, 128 : i32
      %dma_start3A_267 = tpu.memref_slice %arg10[%multiple_of3A_266] : memref<5120xi32, #tpu.memory_space<vmem>> -> memref<128xi32, #tpu.memory_space<vmem>>
      %dma_start3A_268 = arith.constant 0 : i32
      %dma_start3A_269 = tpu.memref_slice %arg8[%dma_start3A_268] : memref<10128xf32, #tpu.memory_space<vmem_shared>> -> memref<10128xf32, #tpu.memory_space<vmem_shared>>
      tpu.enqueue_indirect_dma source(%arg13 : memref<128xf32, #tpu.memory_space<vmem>>) target(%dma_start3A_269 : memref<10128xf32, #tpu.memory_space<vmem_shared>>) offsets(%dma_start3A_267 : memref<128xi32, #tpu.memory_space<vmem>>) semaphore(%arg19 : memref<!tpu.dma_semaphore, #tpu.memory_space<semaphore_mem>>) {add = true}
      %gt3A = arith.constant 0 : i32
      %gt3A_270 = arith.cmpi sgt, %scan3A_246, %gt3A : i32
      %convert_element_type3A_271 = arith.extui %gt3A_270 : i1 to i32
      %cond3A_272 = arith.constant 0 : i32
      %cond3A_273 = arith.cmpi ne, %convert_element_type3A_271, %cond3A_272 : i32
      scf.if %cond3A_273 {
        %sub3A = arith.constant 1 : i32
        %sub3A_322 = arith.subi %mul3A_249, %sub3A : i32
        %mul3A_323 = arith.constant 128 : i32
        %mul3A_324 = arith.muli %sub3A_322, %mul3A_323 : i32
        %multiple_of3A_325 = tpu.assume_multiple %mul3A_324, 128 : i32
        %dma_wait3A_326 = tpu.memref_slice %arg10[%multiple_of3A_325] : memref<5120xi32, #tpu.memory_space<vmem>> -> memref<128xi32, #tpu.memory_space<vmem>>
        %dma_wait3A_327 = arith.constant 0 : i32
        %dma_wait3A_328 = arith.constant 0 : i32
        %dma_wait3A_329 = tpu.memref_slice %arg7[%dma_wait3A_327, %dma_wait3A_328] : memref<10128x128xf32, #tpu.memory_space<vmem_shared>> -> memref<10128x128xf32, #tpu.memory_space<vmem_shared>>
        tpu.wait_indirect_dma semaphore(%arg18 : memref<!tpu.dma_semaphore, #tpu.memory_space<semaphore_mem>>) src(%arg12 : memref<128x128xf32, #tpu.memory_space<vmem>>) dst(%dma_wait3A_329 : memref<10128x128xf32, #tpu.memory_space<vmem_shared>>)
      } else {
      }
      %add3A_274 = arith.constant 1 : i32
      %add3A_275 = arith.addi %mul3A_249, %add3A_274 : i32
      %mul3A_276 = arith.constant 128 : i32
      %mul3A_277 = arith.muli %add3A_275, %mul3A_276 : i32
      %multiple_of3A_278 = tpu.assume_multiple %mul3A_277, 128 : i32
      %dma_start3A_279 = tpu.memref_slice %arg9[%multiple_of3A_278] : memref<5120xi32, #tpu.memory_space<vmem>> -> memref<128xi32, #tpu.memory_space<vmem>>
      %dma_start3A_280 = arith.constant 0 : i32
      %dma_start3A_281 = arith.constant 0 : i32
      %dma_start3A_282 = tpu.memref_slice %arg2[%dma_start3A_280, %dma_start3A_281] : memref<10000x128xf32, #tpu.memory_space<hbm>> -> memref<10000x128xf32, #tpu.memory_space<hbm>>
      tpu.enqueue_indirect_dma source(%dma_start3A_282 : memref<10000x128xf32, #tpu.memory_space<hbm>>) target(%arg12 : memref<128x128xf32, #tpu.memory_space<vmem>>) offsets(%dma_start3A_279 : memref<128xi32, #tpu.memory_space<vmem>>) semaphore(%arg16 : memref<!tpu.dma_semaphore, #tpu.memory_space<semaphore_mem>>)
      %add3A_283 = arith.constant 1 : i32
      %add3A_284 = arith.addi %mul3A_249, %add3A_283 : i32
      %mul3A_285 = arith.constant 128 : i32
      %mul3A_286 = arith.muli %add3A_284, %mul3A_285 : i32
      %multiple_of3A_287 = tpu.assume_multiple %mul3A_286, 128 : i32
      %dma_wait3A_288 = tpu.memref_slice %arg9[%multiple_of3A_287] : memref<5120xi32, #tpu.memory_space<vmem>> -> memref<128xi32, #tpu.memory_space<vmem>>
      %dma_wait3A_289 = arith.constant 0 : i32
      %dma_wait3A_290 = arith.constant 0 : i32
      %dma_wait3A_291 = tpu.memref_slice %arg2[%dma_wait3A_289, %dma_wait3A_290] : memref<10000x128xf32, #tpu.memory_space<hbm>> -> memref<10000x128xf32, #tpu.memory_space<hbm>>
      tpu.wait_indirect_dma semaphore(%arg16 : memref<!tpu.dma_semaphore, #tpu.memory_space<semaphore_mem>>) src(%dma_wait3A_291 : memref<10000x128xf32, #tpu.memory_space<hbm>>) dst(%arg12 : memref<128x128xf32, #tpu.memory_space<vmem>>)
      %add3A_292 = arith.constant 1 : i32
      %add3A_293 = arith.addi %mul3A_249, %add3A_292 : i32
      %mul3A_294 = arith.constant 128 : i32
      %mul3A_295 = arith.muli %add3A_293, %mul3A_294 : i32
      %multiple_of3A_296 = tpu.assume_multiple %mul3A_295, 128 : i32
      %dma_start3A_297 = tpu.memref_slice %arg10[%multiple_of3A_296] : memref<5120xi32, #tpu.memory_space<vmem>> -> memref<128xi32, #tpu.memory_space<vmem>>
      %dma_start3A_298 = arith.constant 0 : i32
      %dma_start3A_299 = arith.constant 0 : i32
      %dma_start3A_300 = tpu.memref_slice %arg7[%dma_start3A_298, %dma_start3A_299] : memref<10128x128xf32, #tpu.memory_space<vmem_shared>> -> memref<10128x128xf32, #tpu.memory_space<vmem_shared>>
      tpu.enqueue_indirect_dma source(%arg12 : memref<128x128xf32, #tpu.memory_space<vmem>>) target(%dma_start3A_300 : memref<10128x128xf32, #tpu.memory_space<vmem_shared>>) offsets(%dma_start3A_297 : memref<128xi32, #tpu.memory_space<vmem>>) semaphore(%arg18 : memref<!tpu.dma_semaphore, #tpu.memory_space<semaphore_mem>>) {add = true}
      %mul3A_301 = arith.constant 128 : i32
      %mul3A_302 = arith.muli %add3A_293, %mul3A_301 : i32
      %multiple_of3A_303 = tpu.assume_multiple %mul3A_302, 128 : i32
      %dma_start3A_304 = tpu.memref_slice %arg10[%multiple_of3A_303] : memref<5120xi32, #tpu.memory_space<vmem>> -> memref<128xi32, #tpu.memory_space<vmem>>
      %dma_start3A_305 = arith.constant 0 : i32
      %dma_start3A_306 = tpu.memref_slice %arg8[%dma_start3A_305] : memref<10128xf32, #tpu.memory_space<vmem_shared>> -> memref<10128xf32, #tpu.memory_space<vmem_shared>>
      tpu.enqueue_indirect_dma source(%arg13 : memref<128xf32, #tpu.memory_space<vmem>>) target(%dma_start3A_306 : memref<10128xf32, #tpu.memory_space<vmem_shared>>) offsets(%dma_start3A_304 : memref<128xi32, #tpu.memory_space<vmem>>) semaphore(%arg19 : memref<!tpu.dma_semaphore, #tpu.memory_space<semaphore_mem>>) {add = true}
      %mul3A_307 = arith.constant 128 : i32
      %mul3A_308 = arith.muli %mul3A_249, %mul3A_307 : i32
      %multiple_of3A_309 = tpu.assume_multiple %mul3A_308, 128 : i32
      %dma_wait3A_310 = tpu.memref_slice %arg10[%multiple_of3A_309] : memref<5120xi32, #tpu.memory_space<vmem>> -> memref<128xi32, #tpu.memory_space<vmem>>
      %dma_wait3A_311 = arith.constant 0 : i32
      %dma_wait3A_312 = arith.constant 0 : i32
      %dma_wait3A_313 = tpu.memref_slice %arg7[%dma_wait3A_311, %dma_wait3A_312] : memref<10128x128xf32, #tpu.memory_space<vmem_shared>> -> memref<10128x128xf32, #tpu.memory_space<vmem_shared>>
      tpu.wait_indirect_dma semaphore(%arg17 : memref<!tpu.dma_semaphore, #tpu.memory_space<semaphore_mem>>) src(%arg11 : memref<128x128xf32, #tpu.memory_space<vmem>>) dst(%dma_wait3A_313 : memref<10128x128xf32, #tpu.memory_space<vmem_shared>>)
      %add3A_314 = arith.constant 2 : i32
      %add3A_315 = arith.addi %mul3A_249, %add3A_314 : i32
      %lt3A_316 = arith.constant 40 : i32
      %lt3A_317 = arith.cmpi slt, %add3A_315, %lt3A_316 : i32
      %convert_element_type3A_318 = arith.extui %lt3A_317 : i1 to i32
      %cond3A_319 = arith.constant 0 : i32
      %cond3A_320 = arith.cmpi ne, %convert_element_type3A_318, %cond3A_319 : i32
      scf.if %cond3A_320 {
        %add3A_322 = arith.constant 2 : i32
        %add3A_323 = arith.addi %mul3A_249, %add3A_322 : i32
        %mul3A_324 = arith.constant 128 : i32
        %mul3A_325 = arith.muli %add3A_323, %mul3A_324 : i32
        %multiple_of3A_326 = tpu.assume_multiple %mul3A_325, 128 : i32
        %dma_start3A_327 = tpu.memref_slice %arg9[%multiple_of3A_326] : memref<5120xi32, #tpu.memory_space<vmem>> -> memref<128xi32, #tpu.memory_space<vmem>>
        %dma_start3A_328 = arith.constant 0 : i32
        %dma_start3A_329 = arith.constant 0 : i32
        %dma_start3A_330 = tpu.memref_slice %arg2[%dma_start3A_328, %dma_start3A_329] : memref<10000x128xf32, #tpu.memory_space<hbm>> -> memref<10000x128xf32, #tpu.memory_space<hbm>>
        tpu.enqueue_indirect_dma source(%dma_start3A_330 : memref<10000x128xf32, #tpu.memory_space<hbm>>) target(%arg11 : memref<128x128xf32, #tpu.memory_space<vmem>>) offsets(%dma_start3A_327 : memref<128xi32, #tpu.memory_space<vmem>>) semaphore(%arg15 : memref<!tpu.dma_semaphore, #tpu.memory_space<semaphore_mem>>)
      } else {
      }
      %scan3A_321 = arith.constant 0 : i32
      scf.yield %scan3A_321 : i32
    }
    %scan3A_140 = arith.constant 20 : i32
    %multiple_of3A_141 = arith.constant 4992 : i32
    %multiple_of3A_142 = tpu.assume_multiple %multiple_of3A_141, 128 : i32
    %dma_wait3A_143 = tpu.memref_slice %arg10[%multiple_of3A_142] : memref<5120xi32, #tpu.memory_space<vmem>> -> memref<128xi32, #tpu.memory_space<vmem>>
    %dma_wait3A_144 = arith.constant 0 : i32
    %dma_wait3A_145 = arith.constant 0 : i32
    %dma_wait3A_146 = tpu.memref_slice %arg7[%dma_wait3A_144, %dma_wait3A_145] : memref<10128x128xf32, #tpu.memory_space<vmem_shared>> -> memref<10128x128xf32, #tpu.memory_space<vmem_shared>>
    tpu.wait_indirect_dma semaphore(%arg18 : memref<!tpu.dma_semaphore, #tpu.memory_space<semaphore_mem>>) src(%arg12 : memref<128x128xf32, #tpu.memory_space<vmem>>) dst(%dma_wait3A_146 : memref<10128x128xf32, #tpu.memory_space<vmem_shared>>)
    %scan3A_147 = arith.constant 0 : i32
    %scan3A_148 = arith.constant 0 : i32
    %scan3A_149 = arith.constant 40 : i32
    %scan3A_150 = arith.addi %scan3A_148, %scan3A_149 : i32
    %scan3A_151 = arith.constant 1 : i32
    %scan3A_152 = scf.for %scan3A_246 = %scan3A_148 to %scan3A_150 step %scan3A_151 iter_args(%scan3A_247 = %scan3A_147) -> (i32)  : i32 {
      %mul3A_248 = arith.constant 128 : i32
      %mul3A_249 = arith.muli %scan3A_246, %mul3A_248 : i32
      %multiple_of3A_250 = tpu.assume_multiple %mul3A_249, 128 : i32
      %dma_wait3A_251 = tpu.memref_slice %arg10[%multiple_of3A_250] : memref<5120xi32, #tpu.memory_space<vmem>> -> memref<128xi32, #tpu.memory_space<vmem>>
      %dma_wait3A_252 = arith.constant 0 : i32
      %dma_wait3A_253 = tpu.memref_slice %arg8[%dma_wait3A_252] : memref<10128xf32, #tpu.memory_space<vmem_shared>> -> memref<10128xf32, #tpu.memory_space<vmem_shared>>
      tpu.wait_indirect_dma semaphore(%arg19 : memref<!tpu.dma_semaphore, #tpu.memory_space<semaphore_mem>>) src(%arg13 : memref<128xf32, #tpu.memory_space<vmem>>) dst(%dma_wait3A_253 : memref<10128xf32, #tpu.memory_space<vmem_shared>>)
      %scan3A_254 = arith.constant 0 : i32
      scf.yield %scan3A_254 : i32
    }
    %scan3A_153 = arith.constant 40 : i32
    %add3A_154 = arith.constant 40 : i32
    %add3A_155 = arith.addi %mul3A_125, %add3A_154 : i32
    %mul3A_156 = arith.constant 128 : i32
    %mul3A_157 = arith.muli %add3A_155, %mul3A_156 : i32
    %multiple_of3A_158 = tpu.assume_multiple %mul3A_157, 128 : i32
    "tpu.region"() ({
      %run_scoped3A = tpu.sem_alloc : memref<!tpu.dma_semaphore, #tpu.memory_space<semaphore_mem>>
      %dma_start3A_246 = tpu.memref_slice %arg3[%multiple_of3A_158] : memref<327680xi32, #tpu.memory_space<hbm>> -> memref<5120xi32, #tpu.memory_space<hbm>>
      %dma_start3A_247 = tpu.memref_slice %arg3[%multiple_of3A_158] : memref<327680xi32, #tpu.memory_space<hbm>> -> memref<5120xi32, #tpu.memory_space<hbm>>
      tpu.enqueue_dma source(%dma_start3A_247 : memref<5120xi32, #tpu.memory_space<hbm>>) target(%arg9 : memref<5120xi32, #tpu.memory_space<vmem>>) target_semaphore(%run_scoped3A : memref<!tpu.dma_semaphore, #tpu.memory_space<semaphore_mem>>)
      %dma_wait3A_248 = tpu.memref_slice %arg3[%multiple_of3A_158] : memref<327680xi32, #tpu.memory_space<hbm>> -> memref<5120xi32, #tpu.memory_space<hbm>>
      %dma_wait3A_249 = tpu.memref_slice %arg3[%multiple_of3A_158] : memref<327680xi32, #tpu.memory_space<hbm>> -> memref<5120xi32, #tpu.memory_space<hbm>>
      tpu.wait_dma2 semaphore(%run_scoped3A : memref<!tpu.dma_semaphore, #tpu.memory_space<semaphore_mem>>) src(%dma_wait3A_249 : memref<5120xi32, #tpu.memory_space<hbm>>) dst(%arg9 : memref<5120xi32, #tpu.memory_space<vmem>>)
      tpu.yield
    }) : () -> ()
    "tpu.region"() ({
      %run_scoped3A = tpu.sem_alloc : memref<!tpu.dma_semaphore, #tpu.memory_space<semaphore_mem>>
      %dma_start3A_246 = tpu.memref_slice %arg4[%multiple_of3A_158] : memref<327680xi32, #tpu.memory_space<hbm>> -> memref<5120xi32, #tpu.memory_space<hbm>>
      %dma_start3A_247 = tpu.memref_slice %arg4[%multiple_of3A_158] : memref<327680xi32, #tpu.memory_space<hbm>> -> memref<5120xi32, #tpu.memory_space<hbm>>
      tpu.enqueue_dma source(%dma_start3A_247 : memref<5120xi32, #tpu.memory_space<hbm>>) target(%arg10 : memref<5120xi32, #tpu.memory_space<vmem>>) target_semaphore(%run_scoped3A : memref<!tpu.dma_semaphore, #tpu.memory_space<semaphore_mem>>)
      %dma_wait3A_248 = tpu.memref_slice %arg4[%multiple_of3A_158] : memref<327680xi32, #tpu.memory_space<hbm>> -> memref<5120xi32, #tpu.memory_space<hbm>>
      %dma_wait3A_249 = tpu.memref_slice %arg4[%multiple_of3A_158] : memref<327680xi32, #tpu.memory_space<hbm>> -> memref<5120xi32, #tpu.memory_space<hbm>>
      tpu.wait_dma2 semaphore(%run_scoped3A : memref<!tpu.dma_semaphore, #tpu.memory_space<semaphore_mem>>) src(%dma_wait3A_249 : memref<5120xi32, #tpu.memory_space<hbm>>) dst(%arg10 : memref<5120xi32, #tpu.memory_space<vmem>>)
      tpu.yield
    }) : () -> ()
    %multiple_of3A_159 = arith.constant 0 : i32
    %multiple_of3A_160 = tpu.assume_multiple %multiple_of3A_159, 128 : i32
    %dma_start3A_161 = tpu.memref_slice %arg9[%multiple_of3A_160] : memref<5120xi32, #tpu.memory_space<vmem>> -> memref<128xi32, #tpu.memory_space<vmem>>
    %dma_start3A_162 = arith.constant 0 : i32
    %dma_start3A_163 = arith.constant 0 : i32
    %dma_start3A_164 = tpu.memref_slice %arg2[%dma_start3A_162, %dma_start3A_163] : memref<10000x128xf32, #tpu.memory_space<hbm>> -> memref<10000x128xf32, #tpu.memory_space<hbm>>
    tpu.enqueue_indirect_dma source(%dma_start3A_164 : memref<10000x128xf32, #tpu.memory_space<hbm>>) target(%arg11 : memref<128x128xf32, #tpu.memory_space<vmem>>) offsets(%dma_start3A_161 : memref<128xi32, #tpu.memory_space<vmem>>) semaphore(%arg15 : memref<!tpu.dma_semaphore, #tpu.memory_space<semaphore_mem>>)
    %scan3A_165 = arith.constant 0 : i32
    %scan3A_166 = arith.constant 0 : i32
    %scan3A_167 = arith.constant 20 : i32
    %scan3A_168 = arith.addi %scan3A_166, %scan3A_167 : i32
    %scan3A_169 = arith.constant 1 : i32
    %scan3A_170 = scf.for %scan3A_246 = %scan3A_166 to %scan3A_168 step %scan3A_169 iter_args(%scan3A_247 = %scan3A_165) -> (i32)  : i32 {
      %mul3A_248 = arith.constant 2 : i32
      %mul3A_249 = arith.muli %mul3A_248, %scan3A_246 : i32
      %mul3A_250 = arith.constant 128 : i32
      %mul3A_251 = arith.muli %mul3A_249, %mul3A_250 : i32
      %multiple_of3A_252 = tpu.assume_multiple %mul3A_251, 128 : i32
      %dma_wait3A_253 = tpu.memref_slice %arg9[%multiple_of3A_252] : memref<5120xi32, #tpu.memory_space<vmem>> -> memref<128xi32, #tpu.memory_space<vmem>>
      %dma_wait3A_254 = arith.constant 0 : i32
      %dma_wait3A_255 = arith.constant 0 : i32
      %dma_wait3A_256 = tpu.memref_slice %arg2[%dma_wait3A_254, %dma_wait3A_255] : memref<10000x128xf32, #tpu.memory_space<hbm>> -> memref<10000x128xf32, #tpu.memory_space<hbm>>
      tpu.wait_indirect_dma semaphore(%arg15 : memref<!tpu.dma_semaphore, #tpu.memory_space<semaphore_mem>>) src(%dma_wait3A_256 : memref<10000x128xf32, #tpu.memory_space<hbm>>) dst(%arg11 : memref<128x128xf32, #tpu.memory_space<vmem>>)
      %mul3A_257 = arith.constant 128 : i32
      %mul3A_258 = arith.muli %mul3A_249, %mul3A_257 : i32
      %multiple_of3A_259 = tpu.assume_multiple %mul3A_258, 128 : i32
      %dma_start3A_260 = tpu.memref_slice %arg10[%multiple_of3A_259] : memref<5120xi32, #tpu.memory_space<vmem>> -> memref<128xi32, #tpu.memory_space<vmem>>
      %dma_start3A_261 = arith.constant 0 : i32
      %dma_start3A_262 = arith.constant 0 : i32
      %dma_start3A_263 = tpu.memref_slice %arg7[%dma_start3A_261, %dma_start3A_262] : memref<10128x128xf32, #tpu.memory_space<vmem_shared>> -> memref<10128x128xf32, #tpu.memory_space<vmem_shared>>
      tpu.enqueue_indirect_dma source(%arg11 : memref<128x128xf32, #tpu.memory_space<vmem>>) target(%dma_start3A_263 : memref<10128x128xf32, #tpu.memory_space<vmem_shared>>) offsets(%dma_start3A_260 : memref<128xi32, #tpu.memory_space<vmem>>) semaphore(%arg17 : memref<!tpu.dma_semaphore, #tpu.memory_space<semaphore_mem>>) {add = true}
      %mul3A_264 = arith.constant 128 : i32
      %mul3A_265 = arith.muli %mul3A_249, %mul3A_264 : i32
      %multiple_of3A_266 = tpu.assume_multiple %mul3A_265, 128 : i32
      %dma_start3A_267 = tpu.memref_slice %arg10[%multiple_of3A_266] : memref<5120xi32, #tpu.memory_space<vmem>> -> memref<128xi32, #tpu.memory_space<vmem>>
      %dma_start3A_268 = arith.constant 0 : i32
      %dma_start3A_269 = tpu.memref_slice %arg8[%dma_start3A_268] : memref<10128xf32, #tpu.memory_space<vmem_shared>> -> memref<10128xf32, #tpu.memory_space<vmem_shared>>
      tpu.enqueue_indirect_dma source(%arg13 : memref<128xf32, #tpu.memory_space<vmem>>) target(%dma_start3A_269 : memref<10128xf32, #tpu.memory_space<vmem_shared>>) offsets(%dma_start3A_267 : memref<128xi32, #tpu.memory_space<vmem>>) semaphore(%arg19 : memref<!tpu.dma_semaphore, #tpu.memory_space<semaphore_mem>>) {add = true}
      %gt3A = arith.constant 0 : i32
      %gt3A_270 = arith.cmpi sgt, %scan3A_246, %gt3A : i32
      %convert_element_type3A_271 = arith.extui %gt3A_270 : i1 to i32
      %cond3A_272 = arith.constant 0 : i32
      %cond3A_273 = arith.cmpi ne, %convert_element_type3A_271, %cond3A_272 : i32
      scf.if %cond3A_273 {
        %sub3A = arith.constant 1 : i32
        %sub3A_322 = arith.subi %mul3A_249, %sub3A : i32
        %mul3A_323 = arith.constant 128 : i32
        %mul3A_324 = arith.muli %sub3A_322, %mul3A_323 : i32
        %multiple_of3A_325 = tpu.assume_multiple %mul3A_324, 128 : i32
        %dma_wait3A_326 = tpu.memref_slice %arg10[%multiple_of3A_325] : memref<5120xi32, #tpu.memory_space<vmem>> -> memref<128xi32, #tpu.memory_space<vmem>>
        %dma_wait3A_327 = arith.constant 0 : i32
        %dma_wait3A_328 = arith.constant 0 : i32
        %dma_wait3A_329 = tpu.memref_slice %arg7[%dma_wait3A_327, %dma_wait3A_328] : memref<10128x128xf32, #tpu.memory_space<vmem_shared>> -> memref<10128x128xf32, #tpu.memory_space<vmem_shared>>
        tpu.wait_indirect_dma semaphore(%arg18 : memref<!tpu.dma_semaphore, #tpu.memory_space<semaphore_mem>>) src(%arg12 : memref<128x128xf32, #tpu.memory_space<vmem>>) dst(%dma_wait3A_329 : memref<10128x128xf32, #tpu.memory_space<vmem_shared>>)
      } else {
      }
      %add3A_274 = arith.constant 1 : i32
      %add3A_275 = arith.addi %mul3A_249, %add3A_274 : i32
      %mul3A_276 = arith.constant 128 : i32
      %mul3A_277 = arith.muli %add3A_275, %mul3A_276 : i32
      %multiple_of3A_278 = tpu.assume_multiple %mul3A_277, 128 : i32
      %dma_start3A_279 = tpu.memref_slice %arg9[%multiple_of3A_278] : memref<5120xi32, #tpu.memory_space<vmem>> -> memref<128xi32, #tpu.memory_space<vmem>>
      %dma_start3A_280 = arith.constant 0 : i32
      %dma_start3A_281 = arith.constant 0 : i32
      %dma_start3A_282 = tpu.memref_slice %arg2[%dma_start3A_280, %dma_start3A_281] : memref<10000x128xf32, #tpu.memory_space<hbm>> -> memref<10000x128xf32, #tpu.memory_space<hbm>>
      tpu.enqueue_indirect_dma source(%dma_start3A_282 : memref<10000x128xf32, #tpu.memory_space<hbm>>) target(%arg12 : memref<128x128xf32, #tpu.memory_space<vmem>>) offsets(%dma_start3A_279 : memref<128xi32, #tpu.memory_space<vmem>>) semaphore(%arg16 : memref<!tpu.dma_semaphore, #tpu.memory_space<semaphore_mem>>)
      %add3A_283 = arith.constant 1 : i32
      %add3A_284 = arith.addi %mul3A_249, %add3A_283 : i32
      %mul3A_285 = arith.constant 128 : i32
      %mul3A_286 = arith.muli %add3A_284, %mul3A_285 : i32
      %multiple_of3A_287 = tpu.assume_multiple %mul3A_286, 128 : i32
      %dma_wait3A_288 = tpu.memref_slice %arg9[%multiple_of3A_287] : memref<5120xi32, #tpu.memory_space<vmem>> -> memref<128xi32, #tpu.memory_space<vmem>>
      %dma_wait3A_289 = arith.constant 0 : i32
      %dma_wait3A_290 = arith.constant 0 : i32
      %dma_wait3A_291 = tpu.memref_slice %arg2[%dma_wait3A_289, %dma_wait3A_290] : memref<10000x128xf32, #tpu.memory_space<hbm>> -> memref<10000x128xf32, #tpu.memory_space<hbm>>
      tpu.wait_indirect_dma semaphore(%arg16 : memref<!tpu.dma_semaphore, #tpu.memory_space<semaphore_mem>>) src(%dma_wait3A_291 : memref<10000x128xf32, #tpu.memory_space<hbm>>) dst(%arg12 : memref<128x128xf32, #tpu.memory_space<vmem>>)
      %add3A_292 = arith.constant 1 : i32
      %add3A_293 = arith.addi %mul3A_249, %add3A_292 : i32
      %mul3A_294 = arith.constant 128 : i32
      %mul3A_295 = arith.muli %add3A_293, %mul3A_294 : i32
      %multiple_of3A_296 = tpu.assume_multiple %mul3A_295, 128 : i32
      %dma_start3A_297 = tpu.memref_slice %arg10[%multiple_of3A_296] : memref<5120xi32, #tpu.memory_space<vmem>> -> memref<128xi32, #tpu.memory_space<vmem>>
      %dma_start3A_298 = arith.constant 0 : i32
      %dma_start3A_299 = arith.constant 0 : i32
      %dma_start3A_300 = tpu.memref_slice %arg7[%dma_start3A_298, %dma_start3A_299] : memref<10128x128xf32, #tpu.memory_space<vmem_shared>> -> memref<10128x128xf32, #tpu.memory_space<vmem_shared>>
      tpu.enqueue_indirect_dma source(%arg12 : memref<128x128xf32, #tpu.memory_space<vmem>>) target(%dma_start3A_300 : memref<10128x128xf32, #tpu.memory_space<vmem_shared>>) offsets(%dma_start3A_297 : memref<128xi32, #tpu.memory_space<vmem>>) semaphore(%arg18 : memref<!tpu.dma_semaphore, #tpu.memory_space<semaphore_mem>>) {add = true}
      %mul3A_301 = arith.constant 128 : i32
      %mul3A_302 = arith.muli %add3A_293, %mul3A_301 : i32
      %multiple_of3A_303 = tpu.assume_multiple %mul3A_302, 128 : i32
      %dma_start3A_304 = tpu.memref_slice %arg10[%multiple_of3A_303] : memref<5120xi32, #tpu.memory_space<vmem>> -> memref<128xi32, #tpu.memory_space<vmem>>
      %dma_start3A_305 = arith.constant 0 : i32
      %dma_start3A_306 = tpu.memref_slice %arg8[%dma_start3A_305] : memref<10128xf32, #tpu.memory_space<vmem_shared>> -> memref<10128xf32, #tpu.memory_space<vmem_shared>>
      tpu.enqueue_indirect_dma source(%arg13 : memref<128xf32, #tpu.memory_space<vmem>>) target(%dma_start3A_306 : memref<10128xf32, #tpu.memory_space<vmem_shared>>) offsets(%dma_start3A_304 : memref<128xi32, #tpu.memory_space<vmem>>) semaphore(%arg19 : memref<!tpu.dma_semaphore, #tpu.memory_space<semaphore_mem>>) {add = true}
      %mul3A_307 = arith.constant 128 : i32
      %mul3A_308 = arith.muli %mul3A_249, %mul3A_307 : i32
      %multiple_of3A_309 = tpu.assume_multiple %mul3A_308, 128 : i32
      %dma_wait3A_310 = tpu.memref_slice %arg10[%multiple_of3A_309] : memref<5120xi32, #tpu.memory_space<vmem>> -> memref<128xi32, #tpu.memory_space<vmem>>
      %dma_wait3A_311 = arith.constant 0 : i32
      %dma_wait3A_312 = arith.constant 0 : i32
      %dma_wait3A_313 = tpu.memref_slice %arg7[%dma_wait3A_311, %dma_wait3A_312] : memref<10128x128xf32, #tpu.memory_space<vmem_shared>> -> memref<10128x128xf32, #tpu.memory_space<vmem_shared>>
      tpu.wait_indirect_dma semaphore(%arg17 : memref<!tpu.dma_semaphore, #tpu.memory_space<semaphore_mem>>) src(%arg11 : memref<128x128xf32, #tpu.memory_space<vmem>>) dst(%dma_wait3A_313 : memref<10128x128xf32, #tpu.memory_space<vmem_shared>>)
      %add3A_314 = arith.constant 2 : i32
      %add3A_315 = arith.addi %mul3A_249, %add3A_314 : i32
      %lt3A_316 = arith.constant 40 : i32
      %lt3A_317 = arith.cmpi slt, %add3A_315, %lt3A_316 : i32
      %convert_element_type3A_318 = arith.extui %lt3A_317 : i1 to i32
      %cond3A_319 = arith.constant 0 : i32
      %cond3A_320 = arith.cmpi ne, %convert_element_type3A_318, %cond3A_319 : i32
      scf.if %cond3A_320 {
        %add3A_322 = arith.constant 2 : i32
        %add3A_323 = arith.addi %mul3A_249, %add3A_322 : i32
        %mul3A_324 = arith.constant 128 : i32
        %mul3A_325 = arith.muli %add3A_323, %mul3A_324 : i32
        %multiple_of3A_326 = tpu.assume_multiple %mul3A_325, 128 : i32
        %dma_start3A_327 = tpu.memref_slice %arg9[%multiple_of3A_326] : memref<5120xi32, #tpu.memory_space<vmem>> -> memref<128xi32, #tpu.memory_space<vmem>>
        %dma_start3A_328 = arith.constant 0 : i32
        %dma_start3A_329 = arith.constant 0 : i32
        %dma_start3A_330 = tpu.memref_slice %arg2[%dma_start3A_328, %dma_start3A_329] : memref<10000x128xf32, #tpu.memory_space<hbm>> -> memref<10000x128xf32, #tpu.memory_space<hbm>>
        tpu.enqueue_indirect_dma source(%dma_start3A_330 : memref<10000x128xf32, #tpu.memory_space<hbm>>) target(%arg11 : memref<128x128xf32, #tpu.memory_space<vmem>>) offsets(%dma_start3A_327 : memref<128xi32, #tpu.memory_space<vmem>>) semaphore(%arg15 : memref<!tpu.dma_semaphore, #tpu.memory_space<semaphore_mem>>)
      } else {
      }
      %scan3A_321 = arith.constant 0 : i32
      scf.yield %scan3A_321 : i32
    }
    %scan3A_171 = arith.constant 20 : i32
    %multiple_of3A_172 = arith.constant 4992 : i32
    %multiple_of3A_173 = tpu.assume_multiple %multiple_of3A_172, 128 : i32
    %dma_wait3A_174 = tpu.memref_slice %arg10[%multiple_of3A_173] : memref<5120xi32, #tpu.memory_space<vmem>> -> memref<128xi32, #tpu.memory_space<vmem>>
    %dma_wait3A_175 = arith.constant 0 : i32
    %dma_wait3A_176 = arith.constant 0 : i32
    %dma_wait3A_177 = tpu.memref_slice %arg7[%dma_wait3A_175, %dma_wait3A_176] : memref<10128x128xf32, #tpu.memory_space<vmem_shared>> -> memref<10128x128xf32, #tpu.memory_space<vmem_shared>>
    tpu.wait_indirect_dma semaphore(%arg18 : memref<!tpu.dma_semaphore, #tpu.memory_space<semaphore_mem>>) src(%arg12 : memref<128x128xf32, #tpu.memory_space<vmem>>) dst(%dma_wait3A_177 : memref<10128x128xf32, #tpu.memory_space<vmem_shared>>)
    %scan3A_178 = arith.constant 0 : i32
    %scan3A_179 = arith.constant 0 : i32
    %scan3A_180 = arith.constant 40 : i32
    %scan3A_181 = arith.addi %scan3A_179, %scan3A_180 : i32
    %scan3A_182 = arith.constant 1 : i32
    %scan3A_183 = scf.for %scan3A_246 = %scan3A_179 to %scan3A_181 step %scan3A_182 iter_args(%scan3A_247 = %scan3A_178) -> (i32)  : i32 {
      %mul3A_248 = arith.constant 128 : i32
      %mul3A_249 = arith.muli %scan3A_246, %mul3A_248 : i32
      %multiple_of3A_250 = tpu.assume_multiple %mul3A_249, 128 : i32
      %dma_wait3A_251 = tpu.memref_slice %arg10[%multiple_of3A_250] : memref<5120xi32, #tpu.memory_space<vmem>> -> memref<128xi32, #tpu.memory_space<vmem>>
      %dma_wait3A_252 = arith.constant 0 : i32
      %dma_wait3A_253 = tpu.memref_slice %arg8[%dma_wait3A_252] : memref<10128xf32, #tpu.memory_space<vmem_shared>> -> memref<10128xf32, #tpu.memory_space<vmem_shared>>
      tpu.wait_indirect_dma semaphore(%arg19 : memref<!tpu.dma_semaphore, #tpu.memory_space<semaphore_mem>>) src(%arg13 : memref<128xf32, #tpu.memory_space<vmem>>) dst(%dma_wait3A_253 : memref<10128xf32, #tpu.memory_space<vmem_shared>>)
      %scan3A_254 = arith.constant 0 : i32
      scf.yield %scan3A_254 : i32
    }
    %scan3A_184 = arith.constant 40 : i32
    %barrier3A_185 = arith.constant 0 : index
    tpu.barrier barrier_id(%barrier3A_185)
    %mul3A_186 = arith.constant 10000 : i32
    %mul3A_187 = arith.muli %arg0, %mul3A_186 : i32
    %add3A_188 = arith.addi %mul3A_187, %mul3A_49 : i32
    %add3A_189 = arith.constant 0 : i32
    %add3A_190 = arith.addi %mul3A_49, %add3A_189 : i32
    "tpu.region"() ({
      %run_scoped3A = tpu.sem_alloc : memref<!tpu.dma_semaphore, #tpu.memory_space<semaphore_mem>>
      %dma_start3A_246 = arith.constant 0 : i32
      %dma_start3A_247 = tpu.memref_slice %arg7[%add3A_190, %dma_start3A_246] : memref<10128x128xf32, #tpu.memory_space<vmem_shared>> -> memref<128x128xf32, #tpu.memory_space<vmem_shared>>
      %dma_start3A_248 = arith.constant 0 : i32
      %dma_start3A_249 = tpu.memref_slice %arg7[%add3A_190, %dma_start3A_248] : memref<10128x128xf32, #tpu.memory_space<vmem_shared>> -> memref<128x128xf32, #tpu.memory_space<vmem_shared>>
      tpu.enqueue_dma source(%dma_start3A_249 : memref<128x128xf32, #tpu.memory_space<vmem_shared>>) target(%arg11 : memref<128x128xf32, #tpu.memory_space<vmem>>) target_semaphore(%run_scoped3A : memref<!tpu.dma_semaphore, #tpu.memory_space<semaphore_mem>>)
      %dma_wait3A_250 = arith.constant 0 : i32
      %dma_wait3A_251 = tpu.memref_slice %arg7[%add3A_190, %dma_wait3A_250] : memref<10128x128xf32, #tpu.memory_space<vmem_shared>> -> memref<128x128xf32, #tpu.memory_space<vmem_shared>>
      %dma_wait3A_252 = arith.constant 0 : i32
      %dma_wait3A_253 = tpu.memref_slice %arg7[%add3A_190, %dma_wait3A_252] : memref<10128x128xf32, #tpu.memory_space<vmem_shared>> -> memref<128x128xf32, #tpu.memory_space<vmem_shared>>
      tpu.wait_dma2 semaphore(%run_scoped3A : memref<!tpu.dma_semaphore, #tpu.memory_space<semaphore_mem>>) src(%dma_wait3A_253 : memref<128x128xf32, #tpu.memory_space<vmem_shared>>) dst(%arg11 : memref<128x128xf32, #tpu.memory_space<vmem>>)
      tpu.yield
    }) : () -> ()
    %add3A_191 = arith.constant 0 : i32
    %add3A_192 = arith.addi %add3A_188, %add3A_191 : i32
    %dma_start3A_193 = arith.constant 0 : i32
    %dma_start3A_194 = tpu.memref_slice %arg5[%add3A_192, %dma_start3A_193] : memref<20000x128xf32, #tpu.memory_space<hbm>> -> memref<128x128xf32, #tpu.memory_space<hbm>>
    %dma_start3A_195 = arith.constant 0 : i32
    %dma_start3A_196 = tpu.memref_slice %arg5[%add3A_192, %dma_start3A_195] : memref<20000x128xf32, #tpu.memory_space<hbm>> -> memref<128x128xf32, #tpu.memory_space<hbm>>
    tpu.enqueue_dma source(%arg11 : memref<128x128xf32, #tpu.memory_space<vmem>>) target(%dma_start3A_196 : memref<128x128xf32, #tpu.memory_space<hbm>>) target_semaphore(%arg17 : memref<!tpu.dma_semaphore, #tpu.memory_space<semaphore_mem>>)
    %add3A_197 = arith.constant 128 : i32
    %add3A_198 = arith.addi %mul3A_49, %add3A_197 : i32
    "tpu.region"() ({
      %run_scoped3A = tpu.sem_alloc : memref<!tpu.dma_semaphore, #tpu.memory_space<semaphore_mem>>
      %dma_start3A_246 = arith.constant 0 : i32
      %dma_start3A_247 = tpu.memref_slice %arg7[%add3A_198, %dma_start3A_246] : memref<10128x128xf32, #tpu.memory_space<vmem_shared>> -> memref<128x128xf32, #tpu.memory_space<vmem_shared>>
      %dma_start3A_248 = arith.constant 0 : i32
      %dma_start3A_249 = tpu.memref_slice %arg7[%add3A_198, %dma_start3A_248] : memref<10128x128xf32, #tpu.memory_space<vmem_shared>> -> memref<128x128xf32, #tpu.memory_space<vmem_shared>>
      tpu.enqueue_dma source(%dma_start3A_249 : memref<128x128xf32, #tpu.memory_space<vmem_shared>>) target(%arg12 : memref<128x128xf32, #tpu.memory_space<vmem>>) target_semaphore(%run_scoped3A : memref<!tpu.dma_semaphore, #tpu.memory_space<semaphore_mem>>)
      %dma_wait3A_250 = arith.constant 0 : i32
      %dma_wait3A_251 = tpu.memref_slice %arg7[%add3A_198, %dma_wait3A_250] : memref<10128x128xf32, #tpu.memory_space<vmem_shared>> -> memref<128x128xf32, #tpu.memory_space<vmem_shared>>
      %dma_wait3A_252 = arith.constant 0 : i32
      %dma_wait3A_253 = tpu.memref_slice %arg7[%add3A_198, %dma_wait3A_252] : memref<10128x128xf32, #tpu.memory_space<vmem_shared>> -> memref<128x128xf32, #tpu.memory_space<vmem_shared>>
      tpu.wait_dma2 semaphore(%run_scoped3A : memref<!tpu.dma_semaphore, #tpu.memory_space<semaphore_mem>>) src(%dma_wait3A_253 : memref<128x128xf32, #tpu.memory_space<vmem_shared>>) dst(%arg12 : memref<128x128xf32, #tpu.memory_space<vmem>>)
      tpu.yield
    }) : () -> ()
    %add3A_199 = arith.constant 128 : i32
    %add3A_200 = arith.addi %add3A_188, %add3A_199 : i32
    %dma_start3A_201 = arith.constant 0 : i32
    %dma_start3A_202 = tpu.memref_slice %arg5[%add3A_200, %dma_start3A_201] : memref<20000x128xf32, #tpu.memory_space<hbm>> -> memref<128x128xf32, #tpu.memory_space<hbm>>
    %dma_start3A_203 = arith.constant 0 : i32
    %dma_start3A_204 = tpu.memref_slice %arg5[%add3A_200, %dma_start3A_203] : memref<20000x128xf32, #tpu.memory_space<hbm>> -> memref<128x128xf32, #tpu.memory_space<hbm>>
    tpu.enqueue_dma source(%arg12 : memref<128x128xf32, #tpu.memory_space<vmem>>) target(%dma_start3A_204 : memref<128x128xf32, #tpu.memory_space<hbm>>) target_semaphore(%arg18 : memref<!tpu.dma_semaphore, #tpu.memory_space<semaphore_mem>>)
    %dma_wait3A_205 = arith.constant 0 : i32
    %dma_wait3A_206 = tpu.memref_slice %arg5[%add3A_192, %dma_wait3A_205] : memref<20000x128xf32, #tpu.memory_space<hbm>> -> memref<128x128xf32, #tpu.memory_space<hbm>>
    %dma_wait3A_207 = arith.constant 0 : i32
    %dma_wait3A_208 = tpu.memref_slice %arg5[%add3A_192, %dma_wait3A_207] : memref<20000x128xf32, #tpu.memory_space<hbm>> -> memref<128x128xf32, #tpu.memory_space<hbm>>
    tpu.wait_dma2 semaphore(%arg17 : memref<!tpu.dma_semaphore, #tpu.memory_space<semaphore_mem>>) src(%arg11 : memref<128x128xf32, #tpu.memory_space<vmem>>) dst(%dma_wait3A_208 : memref<128x128xf32, #tpu.memory_space<hbm>>)
    %add3A_209 = arith.constant 256 : i32
    %add3A_210 = arith.addi %mul3A_49, %add3A_209 : i32
    "tpu.region"() ({
      %run_scoped3A = tpu.sem_alloc : memref<!tpu.dma_semaphore, #tpu.memory_space<semaphore_mem>>
      %dma_start3A_246 = arith.constant 0 : i32
      %dma_start3A_247 = tpu.memref_slice %arg7[%add3A_210, %dma_start3A_246] : memref<10128x128xf32, #tpu.memory_space<vmem_shared>> -> memref<128x128xf32, #tpu.memory_space<vmem_shared>>
      %dma_start3A_248 = arith.constant 0 : i32
      %dma_start3A_249 = tpu.memref_slice %arg7[%add3A_210, %dma_start3A_248] : memref<10128x128xf32, #tpu.memory_space<vmem_shared>> -> memref<128x128xf32, #tpu.memory_space<vmem_shared>>
      tpu.enqueue_dma source(%dma_start3A_249 : memref<128x128xf32, #tpu.memory_space<vmem_shared>>) target(%arg11 : memref<128x128xf32, #tpu.memory_space<vmem>>) target_semaphore(%run_scoped3A : memref<!tpu.dma_semaphore, #tpu.memory_space<semaphore_mem>>)
      %dma_wait3A_250 = arith.constant 0 : i32
      %dma_wait3A_251 = tpu.memref_slice %arg7[%add3A_210, %dma_wait3A_250] : memref<10128x128xf32, #tpu.memory_space<vmem_shared>> -> memref<128x128xf32, #tpu.memory_space<vmem_shared>>
      %dma_wait3A_252 = arith.constant 0 : i32
      %dma_wait3A_253 = tpu.memref_slice %arg7[%add3A_210, %dma_wait3A_252] : memref<10128x128xf32, #tpu.memory_space<vmem_shared>> -> memref<128x128xf32, #tpu.memory_space<vmem_shared>>
      tpu.wait_dma2 semaphore(%run_scoped3A : memref<!tpu.dma_semaphore, #tpu.memory_space<semaphore_mem>>) src(%dma_wait3A_253 : memref<128x128xf32, #tpu.memory_space<vmem_shared>>) dst(%arg11 : memref<128x128xf32, #tpu.memory_space<vmem>>)
      tpu.yield
    }) : () -> ()
    %add3A_211 = arith.constant 256 : i32
    %add3A_212 = arith.addi %add3A_188, %add3A_211 : i32
    %dma_start3A_213 = arith.constant 0 : i32
    %dma_start3A_214 = tpu.memref_slice %arg5[%add3A_212, %dma_start3A_213] : memref<20000x128xf32, #tpu.memory_space<hbm>> -> memref<128x128xf32, #tpu.memory_space<hbm>>
    %dma_start3A_215 = arith.constant 0 : i32
    %dma_start3A_216 = tpu.memref_slice %arg5[%add3A_212, %dma_start3A_215] : memref<20000x128xf32, #tpu.memory_space<hbm>> -> memref<128x128xf32, #tpu.memory_space<hbm>>
    tpu.enqueue_dma source(%arg11 : memref<128x128xf32, #tpu.memory_space<vmem>>) target(%dma_start3A_216 : memref<128x128xf32, #tpu.memory_space<hbm>>) target_semaphore(%arg17 : memref<!tpu.dma_semaphore, #tpu.memory_space<semaphore_mem>>)
    %dma_wait3A_217 = arith.constant 0 : i32
    %dma_wait3A_218 = tpu.memref_slice %arg5[%add3A_200, %dma_wait3A_217] : memref<20000x128xf32, #tpu.memory_space<hbm>> -> memref<128x128xf32, #tpu.memory_space<hbm>>
    %dma_wait3A_219 = arith.constant 0 : i32
    %dma_wait3A_220 = tpu.memref_slice %arg5[%add3A_200, %dma_wait3A_219] : memref<20000x128xf32, #tpu.memory_space<hbm>> -> memref<128x128xf32, #tpu.memory_space<hbm>>
    tpu.wait_dma2 semaphore(%arg18 : memref<!tpu.dma_semaphore, #tpu.memory_space<semaphore_mem>>) src(%arg12 : memref<128x128xf32, #tpu.memory_space<vmem>>) dst(%dma_wait3A_220 : memref<128x128xf32, #tpu.memory_space<hbm>>)
    %add3A_221 = arith.constant 384 : i32
    %add3A_222 = arith.addi %mul3A_49, %add3A_221 : i32
    "tpu.region"() ({
      %run_scoped3A = tpu.sem_alloc : memref<!tpu.dma_semaphore, #tpu.memory_space<semaphore_mem>>
      %dma_start3A_246 = arith.constant 0 : i32
      %dma_start3A_247 = tpu.memref_slice %arg7[%add3A_222, %dma_start3A_246] : memref<10128x128xf32, #tpu.memory_space<vmem_shared>> -> memref<128x128xf32, #tpu.memory_space<vmem_shared>>
      %dma_start3A_248 = arith.constant 0 : i32
      %dma_start3A_249 = tpu.memref_slice %arg7[%add3A_222, %dma_start3A_248] : memref<10128x128xf32, #tpu.memory_space<vmem_shared>> -> memref<128x128xf32, #tpu.memory_space<vmem_shared>>
      tpu.enqueue_dma source(%dma_start3A_249 : memref<128x128xf32, #tpu.memory_space<vmem_shared>>) target(%arg12 : memref<128x128xf32, #tpu.memory_space<vmem>>) target_semaphore(%run_scoped3A : memref<!tpu.dma_semaphore, #tpu.memory_space<semaphore_mem>>)
      %dma_wait3A_250 = arith.constant 0 : i32
      %dma_wait3A_251 = tpu.memref_slice %arg7[%add3A_222, %dma_wait3A_250] : memref<10128x128xf32, #tpu.memory_space<vmem_shared>> -> memref<128x128xf32, #tpu.memory_space<vmem_shared>>
      %dma_wait3A_252 = arith.constant 0 : i32
      %dma_wait3A_253 = tpu.memref_slice %arg7[%add3A_222, %dma_wait3A_252] : memref<10128x128xf32, #tpu.memory_space<vmem_shared>> -> memref<128x128xf32, #tpu.memory_space<vmem_shared>>
      tpu.wait_dma2 semaphore(%run_scoped3A : memref<!tpu.dma_semaphore, #tpu.memory_space<semaphore_mem>>) src(%dma_wait3A_253 : memref<128x128xf32, #tpu.memory_space<vmem_shared>>) dst(%arg12 : memref<128x128xf32, #tpu.memory_space<vmem>>)
      tpu.yield
    }) : () -> ()
    %add3A_223 = arith.constant 384 : i32
    %add3A_224 = arith.addi %add3A_188, %add3A_223 : i32
    %dma_start3A_225 = arith.constant 0 : i32
    %dma_start3A_226 = tpu.memref_slice %arg5[%add3A_224, %dma_start3A_225] : memref<20000x128xf32, #tpu.memory_space<hbm>> -> memref<128x128xf32, #tpu.memory_space<hbm>>
    %dma_start3A_227 = arith.constant 0 : i32
    %dma_start3A_228 = tpu.memref_slice %arg5[%add3A_224, %dma_start3A_227] : memref<20000x128xf32, #tpu.memory_space<hbm>> -> memref<128x128xf32, #tpu.memory_space<hbm>>
    tpu.enqueue_dma source(%arg12 : memref<128x128xf32, #tpu.memory_space<vmem>>) target(%dma_start3A_228 : memref<128x128xf32, #tpu.memory_space<hbm>>) target_semaphore(%arg18 : memref<!tpu.dma_semaphore, #tpu.memory_space<semaphore_mem>>)
    %dma_wait3A_229 = arith.constant 0 : i32
    %dma_wait3A_230 = tpu.memref_slice %arg5[%add3A_212, %dma_wait3A_229] : memref<20000x128xf32, #tpu.memory_space<hbm>> -> memref<128x128xf32, #tpu.memory_space<hbm>>
    %dma_wait3A_231 = arith.constant 0 : i32
    %dma_wait3A_232 = tpu.memref_slice %arg5[%add3A_212, %dma_wait3A_231] : memref<20000x128xf32, #tpu.memory_space<hbm>> -> memref<128x128xf32, #tpu.memory_space<hbm>>
    tpu.wait_dma2 semaphore(%arg17 : memref<!tpu.dma_semaphore, #tpu.memory_space<semaphore_mem>>) src(%arg11 : memref<128x128xf32, #tpu.memory_space<vmem>>) dst(%dma_wait3A_232 : memref<128x128xf32, #tpu.memory_space<hbm>>)
    %lt3A = arith.constant 15 : i32
    %lt3A_233 = arith.cmpi slt, %arg1, %lt3A : i32
    %convert_element_type3A_234 = arith.extui %lt3A_233 : i1 to i32
    %cond3A_235 = arith.constant 0 : i32
    %cond3A_236 = arith.cmpi ne, %convert_element_type3A_234, %cond3A_235 : i32
    scf.if %cond3A_236 {
      %add3A_246 = arith.constant 512 : i32
      %add3A_247 = arith.addi %mul3A_49, %add3A_246 : i32
      "tpu.region"() ({
        %run_scoped3A = tpu.sem_alloc : memref<!tpu.dma_semaphore, #tpu.memory_space<semaphore_mem>>
        %dma_start3A_282 = arith.constant 0 : i32
        %dma_start3A_283 = arith.constant 0 : i32
        %dma_start3A_284 = tpu.memref_slice %arg11[%dma_start3A_282, %dma_start3A_283] : memref<128x128xf32, #tpu.memory_space<vmem>> -> memref<120x128xf32, #tpu.memory_space<vmem>>
        %dma_start3A_285 = arith.constant 0 : i32
        %dma_start3A_286 = tpu.memref_slice %arg7[%add3A_247, %dma_start3A_285] : memref<10128x128xf32, #tpu.memory_space<vmem_shared>> -> memref<120x128xf32, #tpu.memory_space<vmem_shared>>
        %dma_start3A_287 = arith.constant 0 : i32
        %dma_start3A_288 = arith.constant 0 : i32
        %dma_start3A_289 = tpu.memref_slice %arg11[%dma_start3A_287, %dma_start3A_288] : memref<128x128xf32, #tpu.memory_space<vmem>> -> memref<120x128xf32, #tpu.memory_space<vmem>>
        %dma_start3A_290 = arith.constant 0 : i32
        %dma_start3A_291 = tpu.memref_slice %arg7[%add3A_247, %dma_start3A_290] : memref<10128x128xf32, #tpu.memory_space<vmem_shared>> -> memref<120x128xf32, #tpu.memory_space<vmem_shared>>
        tpu.enqueue_dma source(%dma_start3A_291 : memref<120x128xf32, #tpu.memory_space<vmem_shared>>) target(%dma_start3A_289 : memref<120x128xf32, #tpu.memory_space<vmem>>) target_semaphore(%run_scoped3A : memref<!tpu.dma_semaphore, #tpu.memory_space<semaphore_mem>>)
        %dma_wait3A_292 = arith.constant 0 : i32
        %dma_wait3A_293 = arith.constant 0 : i32
        %dma_wait3A_294 = tpu.memref_slice %arg11[%dma_wait3A_292, %dma_wait3A_293] : memref<128x128xf32, #tpu.memory_space<vmem>> -> memref<120x128xf32, #tpu.memory_space<vmem>>
        %dma_wait3A_295 = arith.constant 0 : i32
        %dma_wait3A_296 = tpu.memref_slice %arg7[%add3A_247, %dma_wait3A_295] : memref<10128x128xf32, #tpu.memory_space<vmem_shared>> -> memref<120x128xf32, #tpu.memory_space<vmem_shared>>
        %dma_wait3A_297 = arith.constant 0 : i32
        %dma_wait3A_298 = arith.constant 0 : i32
        %dma_wait3A_299 = tpu.memref_slice %arg11[%dma_wait3A_297, %dma_wait3A_298] : memref<128x128xf32, #tpu.memory_space<vmem>> -> memref<120x128xf32, #tpu.memory_space<vmem>>
        %dma_wait3A_300 = arith.constant 0 : i32
        %dma_wait3A_301 = tpu.memref_slice %arg7[%add3A_247, %dma_wait3A_300] : memref<10128x128xf32, #tpu.memory_space<vmem_shared>> -> memref<120x128xf32, #tpu.memory_space<vmem_shared>>
        tpu.wait_dma2 semaphore(%run_scoped3A : memref<!tpu.dma_semaphore, #tpu.memory_space<semaphore_mem>>) src(%dma_wait3A_301 : memref<120x128xf32, #tpu.memory_space<vmem_shared>>) dst(%dma_wait3A_299 : memref<120x128xf32, #tpu.memory_space<vmem>>)
        tpu.yield
      }) : () -> ()
      %add3A_248 = arith.constant 512 : i32
      %add3A_249 = arith.addi %add3A_188, %add3A_248 : i32
      %dma_start3A_250 = arith.constant 0 : i32
      %dma_start3A_251 = arith.constant 0 : i32
      %dma_start3A_252 = tpu.memref_slice %arg11[%dma_start3A_250, %dma_start3A_251] : memref<128x128xf32, #tpu.memory_space<vmem>> -> memref<120x128xf32, #tpu.memory_space<vmem>>
      %dma_start3A_253 = arith.constant 0 : i32
      %dma_start3A_254 = tpu.memref_slice %arg5[%add3A_249, %dma_start3A_253] : memref<20000x128xf32, #tpu.memory_space<hbm>> -> memref<120x128xf32, #tpu.memory_space<hbm>>
      %dma_start3A_255 = arith.constant 0 : i32
      %dma_start3A_256 = tpu.memref_slice %arg5[%add3A_249, %dma_start3A_255] : memref<20000x128xf32, #tpu.memory_space<hbm>> -> memref<120x128xf32, #tpu.memory_space<hbm>>
      %dma_start3A_257 = arith.constant 0 : i32
      %dma_start3A_258 = arith.constant 0 : i32
      %dma_start3A_259 = tpu.memref_slice %arg11[%dma_start3A_257, %dma_start3A_258] : memref<128x128xf32, #tpu.memory_space<vmem>> -> memref<120x128xf32, #tpu.memory_space<vmem>>
      tpu.enqueue_dma source(%dma_start3A_259 : memref<120x128xf32, #tpu.memory_space<vmem>>) target(%dma_start3A_256 : memref<120x128xf32, #tpu.memory_space<hbm>>) target_semaphore(%arg15 : memref<!tpu.dma_semaphore, #tpu.memory_space<semaphore_mem>>)
      "tpu.region"() ({
        %run_scoped3A = tpu.sem_alloc : memref<!tpu.dma_semaphore, #tpu.memory_space<semaphore_mem>>
        %dma_start3A_282 = arith.constant 0 : i32
        %dma_start3A_283 = tpu.memref_slice %arg14[%dma_start3A_282] : memref<648xf32, #tpu.memory_space<vmem>> -> memref<632xf32, #tpu.memory_space<vmem>>
        %dma_start3A_284 = tpu.memref_slice %arg8[%mul3A_49] : memref<10128xf32, #tpu.memory_space<vmem_shared>> -> memref<632xf32, #tpu.memory_space<vmem_shared>>
        %dma_start3A_285 = arith.constant 0 : i32
        %dma_start3A_286 = tpu.memref_slice %arg14[%dma_start3A_285] : memref<648xf32, #tpu.memory_space<vmem>> -> memref<632xf32, #tpu.memory_space<vmem>>
        %dma_start3A_287 = tpu.memref_slice %arg8[%mul3A_49] : memref<10128xf32, #tpu.memory_space<vmem_shared>> -> memref<632xf32, #tpu.memory_space<vmem_shared>>
        tpu.enqueue_dma source(%dma_start3A_287 : memref<632xf32, #tpu.memory_space<vmem_shared>>) target(%dma_start3A_286 : memref<632xf32, #tpu.memory_space<vmem>>) target_semaphore(%run_scoped3A : memref<!tpu.dma_semaphore, #tpu.memory_space<semaphore_mem>>)
        %dma_wait3A_288 = arith.constant 0 : i32
        %dma_wait3A_289 = tpu.memref_slice %arg14[%dma_wait3A_288] : memref<648xf32, #tpu.memory_space<vmem>> -> memref<632xf32, #tpu.memory_space<vmem>>
        %dma_wait3A_290 = tpu.memref_slice %arg8[%mul3A_49] : memref<10128xf32, #tpu.memory_space<vmem_shared>> -> memref<632xf32, #tpu.memory_space<vmem_shared>>
        %dma_wait3A_291 = arith.constant 0 : i32
        %dma_wait3A_292 = tpu.memref_slice %arg14[%dma_wait3A_291] : memref<648xf32, #tpu.memory_space<vmem>> -> memref<632xf32, #tpu.memory_space<vmem>>
        %dma_wait3A_293 = tpu.memref_slice %arg8[%mul3A_49] : memref<10128xf32, #tpu.memory_space<vmem_shared>> -> memref<632xf32, #tpu.memory_space<vmem_shared>>
        tpu.wait_dma2 semaphore(%run_scoped3A : memref<!tpu.dma_semaphore, #tpu.memory_space<semaphore_mem>>) src(%dma_wait3A_293 : memref<632xf32, #tpu.memory_space<vmem_shared>>) dst(%dma_wait3A_292 : memref<632xf32, #tpu.memory_space<vmem>>)
        tpu.yield
      }) : () -> ()
      %dma_start3A_260 = arith.constant 0 : i32
      %dma_start3A_261 = tpu.memref_slice %arg14[%dma_start3A_260] : memref<648xf32, #tpu.memory_space<vmem>> -> memref<632xf32, #tpu.memory_space<vmem>>
      %dma_start3A_262 = tpu.memref_slice %arg6[%add3A_188] : memref<20000xf32, #tpu.memory_space<hbm>> -> memref<632xf32, #tpu.memory_space<hbm>>
      %dma_start3A_263 = tpu.memref_slice %arg6[%add3A_188] : memref<20000xf32, #tpu.memory_space<hbm>> -> memref<632xf32, #tpu.memory_space<hbm>>
      %dma_start3A_264 = arith.constant 0 : i32
      %dma_start3A_265 = tpu.memref_slice %arg14[%dma_start3A_264] : memref<648xf32, #tpu.memory_space<vmem>> -> memref<632xf32, #tpu.memory_space<vmem>>
      tpu.enqueue_dma source(%dma_start3A_265 : memref<632xf32, #tpu.memory_space<vmem>>) target(%dma_start3A_263 : memref<632xf32, #tpu.memory_space<hbm>>) target_semaphore(%arg16 : memref<!tpu.dma_semaphore, #tpu.memory_space<semaphore_mem>>)
      %dma_wait3A_266 = arith.constant 0 : i32
      %dma_wait3A_267 = arith.constant 0 : i32
      %dma_wait3A_268 = tpu.memref_slice %arg11[%dma_wait3A_266, %dma_wait3A_267] : memref<128x128xf32, #tpu.memory_space<vmem>> -> memref<120x128xf32, #tpu.memory_space<vmem>>
      %dma_wait3A_269 = arith.constant 0 : i32
      %dma_wait3A_270 = tpu.memref_slice %arg5[%add3A_249, %dma_wait3A_269] : memref<20000x128xf32, #tpu.memory_space<hbm>> -> memref<120x128xf32, #tpu.memory_space<hbm>>
      %dma_wait3A_271 = arith.constant 0 : i32
      %dma_wait3A_272 = tpu.memref_slice %arg5[%add3A_249, %dma_wait3A_271] : memref<20000x128xf32, #tpu.memory_space<hbm>> -> memref<120x128xf32, #tpu.memory_space<hbm>>
      %dma_wait3A_273 = arith.constant 0 : i32
      %dma_wait3A_274 = arith.constant 0 : i32
      %dma_wait3A_275 = tpu.memref_slice %arg11[%dma_wait3A_273, %dma_wait3A_274] : memref<128x128xf32, #tpu.memory_space<vmem>> -> memref<120x128xf32, #tpu.memory_space<vmem>>
      tpu.wait_dma2 semaphore(%arg15 : memref<!tpu.dma_semaphore, #tpu.memory_space<semaphore_mem>>) src(%dma_wait3A_275 : memref<120x128xf32, #tpu.memory_space<vmem>>) dst(%dma_wait3A_272 : memref<120x128xf32, #tpu.memory_space<hbm>>)
      %dma_wait3A_276 = arith.constant 0 : i32
      %dma_wait3A_277 = tpu.memref_slice %arg14[%dma_wait3A_276] : memref<648xf32, #tpu.memory_space<vmem>> -> memref<632xf32, #tpu.memory_space<vmem>>
      %dma_wait3A_278 = tpu.memref_slice %arg6[%add3A_188] : memref<20000xf32, #tpu.memory_space<hbm>> -> memref<632xf32, #tpu.memory_space<hbm>>
      %dma_wait3A_279 = tpu.memref_slice %arg6[%add3A_188] : memref<20000xf32, #tpu.memory_space<hbm>> -> memref<632xf32, #tpu.memory_space<hbm>>
      %dma_wait3A_280 = arith.constant 0 : i32
      %dma_wait3A_281 = tpu.memref_slice %arg14[%dma_wait3A_280] : memref<648xf32, #tpu.memory_space<vmem>> -> memref<632xf32, #tpu.memory_space<vmem>>
      tpu.wait_dma2 semaphore(%arg16 : memref<!tpu.dma_semaphore, #tpu.memory_space<semaphore_mem>>) src(%dma_wait3A_281 : memref<632xf32, #tpu.memory_space<vmem>>) dst(%dma_wait3A_279 : memref<632xf32, #tpu.memory_space<hbm>>)
    } else {
    }
    %eq3A_237 = arith.constant 15 : i32
    %eq3A_238 = arith.cmpi eq, %arg1, %eq3A_237 : i32
    %convert_element_type3A_239 = arith.extui %eq3A_238 : i1 to i32
    %cond3A_240 = arith.constant 0 : i32
    %cond3A_241 = arith.cmpi ne, %convert_element_type3A_239, %cond3A_240 : i32
    scf.if %cond3A_241 {
      %add3A_246 = arith.constant 512 : i32
      %add3A_247 = arith.addi %mul3A_49, %add3A_246 : i32
      "tpu.region"() ({
        %run_scoped3A = tpu.sem_alloc : memref<!tpu.dma_semaphore, #tpu.memory_space<semaphore_mem>>
        %dma_start3A_282 = arith.constant 0 : i32
        %dma_start3A_283 = arith.constant 0 : i32
        %dma_start3A_284 = tpu.memref_slice %arg11[%dma_start3A_282, %dma_start3A_283] : memref<128x128xf32, #tpu.memory_space<vmem>> -> memref<8x128xf32, #tpu.memory_space<vmem>>
        %dma_start3A_285 = arith.constant 0 : i32
        %dma_start3A_286 = tpu.memref_slice %arg7[%add3A_247, %dma_start3A_285] : memref<10128x128xf32, #tpu.memory_space<vmem_shared>> -> memref<8x128xf32, #tpu.memory_space<vmem_shared>>
        %dma_start3A_287 = arith.constant 0 : i32
        %dma_start3A_288 = arith.constant 0 : i32
        %dma_start3A_289 = tpu.memref_slice %arg11[%dma_start3A_287, %dma_start3A_288] : memref<128x128xf32, #tpu.memory_space<vmem>> -> memref<8x128xf32, #tpu.memory_space<vmem>>
        %dma_start3A_290 = arith.constant 0 : i32
        %dma_start3A_291 = tpu.memref_slice %arg7[%add3A_247, %dma_start3A_290] : memref<10128x128xf32, #tpu.memory_space<vmem_shared>> -> memref<8x128xf32, #tpu.memory_space<vmem_shared>>
        tpu.enqueue_dma source(%dma_start3A_291 : memref<8x128xf32, #tpu.memory_space<vmem_shared>>) target(%dma_start3A_289 : memref<8x128xf32, #tpu.memory_space<vmem>>) target_semaphore(%run_scoped3A : memref<!tpu.dma_semaphore, #tpu.memory_space<semaphore_mem>>)
        %dma_wait3A_292 = arith.constant 0 : i32
        %dma_wait3A_293 = arith.constant 0 : i32
        %dma_wait3A_294 = tpu.memref_slice %arg11[%dma_wait3A_292, %dma_wait3A_293] : memref<128x128xf32, #tpu.memory_space<vmem>> -> memref<8x128xf32, #tpu.memory_space<vmem>>
        %dma_wait3A_295 = arith.constant 0 : i32
        %dma_wait3A_296 = tpu.memref_slice %arg7[%add3A_247, %dma_wait3A_295] : memref<10128x128xf32, #tpu.memory_space<vmem_shared>> -> memref<8x128xf32, #tpu.memory_space<vmem_shared>>
        %dma_wait3A_297 = arith.constant 0 : i32
        %dma_wait3A_298 = arith.constant 0 : i32
        %dma_wait3A_299 = tpu.memref_slice %arg11[%dma_wait3A_297, %dma_wait3A_298] : memref<128x128xf32, #tpu.memory_space<vmem>> -> memref<8x128xf32, #tpu.memory_space<vmem>>
        %dma_wait3A_300 = arith.constant 0 : i32
        %dma_wait3A_301 = tpu.memref_slice %arg7[%add3A_247, %dma_wait3A_300] : memref<10128x128xf32, #tpu.memory_space<vmem_shared>> -> memref<8x128xf32, #tpu.memory_space<vmem_shared>>
        tpu.wait_dma2 semaphore(%run_scoped3A : memref<!tpu.dma_semaphore, #tpu.memory_space<semaphore_mem>>) src(%dma_wait3A_301 : memref<8x128xf32, #tpu.memory_space<vmem_shared>>) dst(%dma_wait3A_299 : memref<8x128xf32, #tpu.memory_space<vmem>>)
        tpu.yield
      }) : () -> ()
      %add3A_248 = arith.constant 512 : i32
      %add3A_249 = arith.addi %add3A_188, %add3A_248 : i32
      %dma_start3A_250 = arith.constant 0 : i32
      %dma_start3A_251 = arith.constant 0 : i32
      %dma_start3A_252 = tpu.memref_slice %arg11[%dma_start3A_250, %dma_start3A_251] : memref<128x128xf32, #tpu.memory_space<vmem>> -> memref<8x128xf32, #tpu.memory_space<vmem>>
      %dma_start3A_253 = arith.constant 0 : i32
      %dma_start3A_254 = tpu.memref_slice %arg5[%add3A_249, %dma_start3A_253] : memref<20000x128xf32, #tpu.memory_space<hbm>> -> memref<8x128xf32, #tpu.memory_space<hbm>>
      %dma_start3A_255 = arith.constant 0 : i32
      %dma_start3A_256 = tpu.memref_slice %arg5[%add3A_249, %dma_start3A_255] : memref<20000x128xf32, #tpu.memory_space<hbm>> -> memref<8x128xf32, #tpu.memory_space<hbm>>
      %dma_start3A_257 = arith.constant 0 : i32
      %dma_start3A_258 = arith.constant 0 : i32
      %dma_start3A_259 = tpu.memref_slice %arg11[%dma_start3A_257, %dma_start3A_258] : memref<128x128xf32, #tpu.memory_space<vmem>> -> memref<8x128xf32, #tpu.memory_space<vmem>>
      tpu.enqueue_dma source(%dma_start3A_259 : memref<8x128xf32, #tpu.memory_space<vmem>>) target(%dma_start3A_256 : memref<8x128xf32, #tpu.memory_space<hbm>>) target_semaphore(%arg15 : memref<!tpu.dma_semaphore, #tpu.memory_space<semaphore_mem>>)
      "tpu.region"() ({
        %run_scoped3A = tpu.sem_alloc : memref<!tpu.dma_semaphore, #tpu.memory_space<semaphore_mem>>
        %dma_start3A_282 = arith.constant 0 : i32
        %dma_start3A_283 = tpu.memref_slice %arg14[%dma_start3A_282] : memref<648xf32, #tpu.memory_space<vmem>> -> memref<520xf32, #tpu.memory_space<vmem>>
        %dma_start3A_284 = tpu.memref_slice %arg8[%mul3A_49] : memref<10128xf32, #tpu.memory_space<vmem_shared>> -> memref<520xf32, #tpu.memory_space<vmem_shared>>
        %dma_start3A_285 = arith.constant 0 : i32
        %dma_start3A_286 = tpu.memref_slice %arg14[%dma_start3A_285] : memref<648xf32, #tpu.memory_space<vmem>> -> memref<520xf32, #tpu.memory_space<vmem>>
        %dma_start3A_287 = tpu.memref_slice %arg8[%mul3A_49] : memref<10128xf32, #tpu.memory_space<vmem_shared>> -> memref<520xf32, #tpu.memory_space<vmem_shared>>
        tpu.enqueue_dma source(%dma_start3A_287 : memref<520xf32, #tpu.memory_space<vmem_shared>>) target(%dma_start3A_286 : memref<520xf32, #tpu.memory_space<vmem>>) target_semaphore(%run_scoped3A : memref<!tpu.dma_semaphore, #tpu.memory_space<semaphore_mem>>)
        %dma_wait3A_288 = arith.constant 0 : i32
        %dma_wait3A_289 = tpu.memref_slice %arg14[%dma_wait3A_288] : memref<648xf32, #tpu.memory_space<vmem>> -> memref<520xf32, #tpu.memory_space<vmem>>
        %dma_wait3A_290 = tpu.memref_slice %arg8[%mul3A_49] : memref<10128xf32, #tpu.memory_space<vmem_shared>> -> memref<520xf32, #tpu.memory_space<vmem_shared>>
        %dma_wait3A_291 = arith.constant 0 : i32
        %dma_wait3A_292 = tpu.memref_slice %arg14[%dma_wait3A_291] : memref<648xf32, #tpu.memory_space<vmem>> -> memref<520xf32, #tpu.memory_space<vmem>>
        %dma_wait3A_293 = tpu.memref_slice %arg8[%mul3A_49] : memref<10128xf32, #tpu.memory_space<vmem_shared>> -> memref<520xf32, #tpu.memory_space<vmem_shared>>
        tpu.wait_dma2 semaphore(%run_scoped3A : memref<!tpu.dma_semaphore, #tpu.memory_space<semaphore_mem>>) src(%dma_wait3A_293 : memref<520xf32, #tpu.memory_space<vmem_shared>>) dst(%dma_wait3A_292 : memref<520xf32, #tpu.memory_space<vmem>>)
        tpu.yield
      }) : () -> ()
      %dma_start3A_260 = arith.constant 0 : i32
      %dma_start3A_261 = tpu.memref_slice %arg14[%dma_start3A_260] : memref<648xf32, #tpu.memory_space<vmem>> -> memref<520xf32, #tpu.memory_space<vmem>>
      %dma_start3A_262 = tpu.memref_slice %arg6[%add3A_188] : memref<20000xf32, #tpu.memory_space<hbm>> -> memref<520xf32, #tpu.memory_space<hbm>>
      %dma_start3A_263 = tpu.memref_slice %arg6[%add3A_188] : memref<20000xf32, #tpu.memory_space<hbm>> -> memref<520xf32, #tpu.memory_space<hbm>>
      %dma_start3A_264 = arith.constant 0 : i32
      %dma_start3A_265 = tpu.memref_slice %arg14[%dma_start3A_264] : memref<648xf32, #tpu.memory_space<vmem>> -> memref<520xf32, #tpu.memory_space<vmem>>
      tpu.enqueue_dma source(%dma_start3A_265 : memref<520xf32, #tpu.memory_space<vmem>>) target(%dma_start3A_263 : memref<520xf32, #tpu.memory_space<hbm>>) target_semaphore(%arg16 : memref<!tpu.dma_semaphore, #tpu.memory_space<semaphore_mem>>)
      %dma_wait3A_266 = arith.constant 0 : i32
      %dma_wait3A_267 = arith.constant 0 : i32
      %dma_wait3A_268 = tpu.memref_slice %arg11[%dma_wait3A_266, %dma_wait3A_267] : memref<128x128xf32, #tpu.memory_space<vmem>> -> memref<8x128xf32, #tpu.memory_space<vmem>>
      %dma_wait3A_269 = arith.constant 0 : i32
      %dma_wait3A_270 = tpu.memref_slice %arg5[%add3A_249, %dma_wait3A_269] : memref<20000x128xf32, #tpu.memory_space<hbm>> -> memref<8x128xf32, #tpu.memory_space<hbm>>
      %dma_wait3A_271 = arith.constant 0 : i32
      %dma_wait3A_272 = tpu.memref_slice %arg5[%add3A_249, %dma_wait3A_271] : memref<20000x128xf32, #tpu.memory_space<hbm>> -> memref<8x128xf32, #tpu.memory_space<hbm>>
      %dma_wait3A_273 = arith.constant 0 : i32
      %dma_wait3A_274 = arith.constant 0 : i32
      %dma_wait3A_275 = tpu.memref_slice %arg11[%dma_wait3A_273, %dma_wait3A_274] : memref<128x128xf32, #tpu.memory_space<vmem>> -> memref<8x128xf32, #tpu.memory_space<vmem>>
      tpu.wait_dma2 semaphore(%arg15 : memref<!tpu.dma_semaphore, #tpu.memory_space<semaphore_mem>>) src(%dma_wait3A_275 : memref<8x128xf32, #tpu.memory_space<vmem>>) dst(%dma_wait3A_272 : memref<8x128xf32, #tpu.memory_space<hbm>>)
      %dma_wait3A_276 = arith.constant 0 : i32
      %dma_wait3A_277 = tpu.memref_slice %arg14[%dma_wait3A_276] : memref<648xf32, #tpu.memory_space<vmem>> -> memref<520xf32, #tpu.memory_space<vmem>>
      %dma_wait3A_278 = tpu.memref_slice %arg6[%add3A_188] : memref<20000xf32, #tpu.memory_space<hbm>> -> memref<520xf32, #tpu.memory_space<hbm>>
      %dma_wait3A_279 = tpu.memref_slice %arg6[%add3A_188] : memref<20000xf32, #tpu.memory_space<hbm>> -> memref<520xf32, #tpu.memory_space<hbm>>
      %dma_wait3A_280 = arith.constant 0 : i32
      %dma_wait3A_281 = tpu.memref_slice %arg14[%dma_wait3A_280] : memref<648xf32, #tpu.memory_space<vmem>> -> memref<520xf32, #tpu.memory_space<vmem>>
      tpu.wait_dma2 semaphore(%arg16 : memref<!tpu.dma_semaphore, #tpu.memory_space<semaphore_mem>>) src(%dma_wait3A_281 : memref<520xf32, #tpu.memory_space<vmem>>) dst(%dma_wait3A_279 : memref<520xf32, #tpu.memory_space<hbm>>)
    } else {
    }
    %dma_wait3A_242 = arith.constant 0 : i32
    %dma_wait3A_243 = tpu.memref_slice %arg5[%add3A_224, %dma_wait3A_242] : memref<20000x128xf32, #tpu.memory_space<hbm>> -> memref<128x128xf32, #tpu.memory_space<hbm>>
    %dma_wait3A_244 = arith.constant 0 : i32
    %dma_wait3A_245 = tpu.memref_slice %arg5[%add3A_224, %dma_wait3A_244] : memref<20000x128xf32, #tpu.memory_space<hbm>> -> memref<128x128xf32, #tpu.memory_space<hbm>>
    tpu.wait_dma2 semaphore(%arg18 : memref<!tpu.dma_semaphore, #tpu.memory_space<semaphore_mem>>) src(%arg12 : memref<128x128xf32, #tpu.memory_space<vmem>>) dst(%dma_wait3A_245 : memref<128x128xf32, #tpu.memory_space<hbm>>)
    return
  }
}

module attributes {stable_mosaic.version = 14 : i64} {
  func.func @_tc_body(%arg0: i32, %arg1: memref<1000x128xf32, #tpu.memory_space<vmem>>, %arg2: memref<128x128xf32, #tpu.memory_space<vmem>>, %arg3: memref<1000x128xf32, #tpu.memory_space<vmem>>, %arg4: memref<1000x128xf32, #tpu.memory_space<vmem>>, %arg5: memref<1000x1xf32, #tpu.memory_space<vmem>>, %arg6: memref<1000x1xf32, #tpu.memory_space<vmem>>, %arg7: memref<1000x256xf32, #tpu.memory_space<vmem>>) attributes {dimension_semantics = [#tpu.dimension_semantics<arbitrary>], iteration_bounds = array<i64: 10>, scalar_prefetch = 0 : i64, scratch_operands = 0 : i64, tpu.core_type = #tpu.core_type<tc>, window_params = [{transform_indices = @transform_0, window_bounds = array<i64: 1000, 128>}, {pipeline_mode = #tpu.pipeline_mode<synchronous>, transform_indices = @transform_1, window_bounds = array<i64: 128, 128>}, {transform_indices = @transform_2, window_bounds = array<i64: 1000, 128>}, {transform_indices = @transform_3, window_bounds = array<i64: 1000, 128>}, {transform_indices = @transform_4, window_bounds = array<i64: 1000, 1>}, {transform_indices = @transform_5, window_bounds = array<i64: 1000, 1>}, {transform_indices = @transform_6, window_bounds = array<i64: 1000, 256>}]} {
    %get3A = arith.constant 0 : index
    %get3A_0 = arith.constant 0 : index
    %get3A_1 = vector.load %arg2[%get3A, %get3A_0] : memref<128x128xf32, #tpu.memory_space<vmem>>, vector<128x128xf32>
    %get3A_2 = arith.constant 0 : index
    %get3A_3 = arith.constant 0 : index
    %get3A_4 = vector.load %arg3[%get3A_2, %get3A_3] : memref<1000x128xf32, #tpu.memory_space<vmem>>, vector<1000x128xf32>
    %get3A_5 = arith.constant 0 : index
    %get3A_6 = arith.constant 0 : index
    %get3A_7 = vector.load %arg4[%get3A_5, %get3A_6] : memref<1000x128xf32, #tpu.memory_space<vmem>>, vector<1000x128xf32>
    %add3A = arith.addf %get3A_4, %get3A_7 : vector<1000x128xf32>
    %get3A_8 = arith.constant 0 : index
    %get3A_9 = arith.constant 0 : index
    %get3A_10 = vector.load %arg5[%get3A_8, %get3A_9] : memref<1000x1xf32, #tpu.memory_space<vmem>>, vector<1000x1xf32>
    %get3A_11 = arith.constant 0 : index
    %get3A_12 = arith.constant 0 : index
    %get3A_13 = vector.load %arg6[%get3A_11, %get3A_12] : memref<1000x1xf32, #tpu.memory_space<vmem>>, vector<1000x1xf32>
    %add3A_14 = arith.addf %get3A_10, %get3A_13 : vector<1000x1xf32>
    %max3A = arith.constant 1.000000e+00 : f32
    %max3A_15 = vector.broadcast %max3A : f32 to vector<1000x1xf32>
    %max3A_16 = arith.maximumf %add3A_14, %max3A_15 : vector<1000x1xf32>
    %div3A = arith.constant 1.000000e+00 : f32
    %div3A_17 = vector.broadcast %div3A : f32 to vector<1000x1xf32>
    %div3A_18 = arith.divf %div3A_17, %max3A_16 : vector<1000x1xf32>
    %mul3A = vector.broadcast %div3A_18 : vector<1000x1xf32> to vector<1000x128xf32>
    %mul3A_19 = arith.mulf %add3A, %mul3A : vector<1000x128xf32>
    %get3A_20 = arith.constant 0 : index
    %get3A_21 = arith.constant 0 : index
    %get3A_22 = vector.load %arg1[%get3A_20, %get3A_21] : memref<1000x128xf32, #tpu.memory_space<vmem>>, vector<1000x128xf32>
    %dot_general3A = arith.constant dense<0.000000e+00> : vector<1000x128xf32>
    %dot_general3A_23 = tpu.matmul %get3A_22, %get3A_1, %dot_general3A {dimension_numbers = #tpu.dot_dimension_numbers<[1], [0], [0], [1], [0, 0, 1, 1], [], []>, transpose_lhs_hint = false} : vector<1000x128xf32>, vector<128x128xf32>, vector<1000x128xf32> -> vector<1000x128xf32>
    %dot_general3A_24 = arith.constant dense<0.000000e+00> : vector<1000x128xf32>
    %dot_general3A_25 = tpu.matmul %mul3A_19, %get3A_1, %dot_general3A_24 {dimension_numbers = #tpu.dot_dimension_numbers<[1], [0], [0], [1], [0, 0, 1, 1], [], []>, transpose_lhs_hint = false} : vector<1000x128xf32>, vector<128x128xf32>, vector<1000x128xf32> -> vector<1000x128xf32>
    %max3A_26 = arith.constant 0.000000e+00 : f32
    %max3A_27 = vector.broadcast %max3A_26 : f32 to vector<1000x128xf32>
    %max3A_28 = arith.maximumf %dot_general3A_23, %max3A_27 : vector<1000x128xf32>
    %swap3A = arith.constant 0 : index
    %swap3A_29 = arith.constant 0 : index
    %swap3A_30 = vector.load %arg7[%swap3A, %swap3A_29] : memref<1000x256xf32, #tpu.memory_space<vmem>>, vector<1000x128xf32>
    tpu.vector_store %arg7[%swap3A, %swap3A_29], %max3A_28 {strides = array<i32>} : memref<1000x256xf32, #tpu.memory_space<vmem>>, vector<1000x128xf32>,
    %max3A_31 = arith.constant 0.000000e+00 : f32
    %max3A_32 = vector.broadcast %max3A_31 : f32 to vector<1000x128xf32>
    %max3A_33 = arith.maximumf %dot_general3A_25, %max3A_32 : vector<1000x128xf32>
    %swap3A_34 = arith.constant 0 : index
    %swap3A_35 = arith.constant 128 : index
    %swap3A_36 = vector.load %arg7[%swap3A_34, %swap3A_35] : memref<1000x256xf32, #tpu.memory_space<vmem>>, vector<1000x128xf32>
    tpu.vector_store %arg7[%swap3A_34, %swap3A_35], %max3A_33 {strides = array<i32>} : memref<1000x256xf32, #tpu.memory_space<vmem>>, vector<1000x128xf32>,
    return
  }
  func.func @transform_0(%arg0: i32) -> (i32, i32) {
    %c0_i32 = arith.constant 0 : i32
    %c0_i32_0 = arith.constant 0 : i32
    return %arg0, %c0_i32 : i32, i32
  }
  func.func @transform_1(%arg0: i32) -> (i32, i32) {
    %c0_i32 = arith.constant 0 : i32
    %c0_i32_0 = arith.constant 0 : i32
    %c0_i32_1 = arith.constant 0 : i32
    return %c0_i32, %c0_i32_0 : i32, i32
  }
  func.func @transform_2(%arg0: i32) -> (i32, i32) {
    %c0_i32 = arith.constant 0 : i32
    %c0_i32_0 = arith.constant 0 : i32
    return %arg0, %c0_i32 : i32, i32
  }
  func.func @transform_3(%arg0: i32) -> (i32, i32) {
    %add3A = arith.constant 10 : i32
    %add3A_0 = arith.addi %add3A, %arg0 : i32
    %c0_i32 = arith.constant 0 : i32
    %c0_i32_1 = arith.constant 0 : i32
    return %add3A_0, %c0_i32 : i32, i32
  }
  func.func @transform_4(%arg0: i32) -> (i32, i32) {
    %c0_i32 = arith.constant 0 : i32
    %c0_i32_0 = arith.constant 0 : i32
    return %arg0, %c0_i32 : i32, i32
  }
  func.func @transform_5(%arg0: i32) -> (i32, i32) {
    %add3A = arith.constant 10 : i32
    %add3A_0 = arith.addi %add3A, %arg0 : i32
    %c0_i32 = arith.constant 0 : i32
    %c0_i32_1 = arith.constant 0 : i32
    return %add3A_0, %c0_i32 : i32, i32
  }
  func.func @transform_6(%arg0: i32) -> (i32, i32) {
    %c0_i32 = arith.constant 0 : i32
    %c0_i32_0 = arith.constant 0 : i32
    return %arg0, %c0_i32 : i32, i32
  }
}

</mosaic_0001>

<sc_bundles>
// kernel: kernel.4.cloned.1.call-start
scs
__scs_entry_jumppad:
0x0: {  	(pc) =	sbr.rel $0x88, $3  }
0x1: {  	(tag) =	ssettag $0x0;
	lr =	simm.s32 $0x1  }
0x2: {  	[smem:$0x3F9E] =	sst lr;
	_ =	strace $0xD0000000  }
0x3: {  	_ = 	snop  }
0x4: {  	_ = 	snop  }
0x5: {  	_ = 	snop  }
0x6: {  	_ = 	snop  }
0x7: {  	_ = 	snop  }
__scs_overlays_trampoline_lowered:
0x8: {  	[smem:$0x3FAD] =	sst s0  }
0x9: {  	[smem:$0x3FAE] =	sst s1  }
0xa: {  	[smem:$0x3FAF] =	sst s2  }
0xb: {  	[smem:$0x3FB0] =	sst s3  }
0xc: {  	[smem:$0x3FB1] =	sst s4  }
0xd: {  	[smem:$0x3FB2] =	sst s5  }
0xe: {  	[smem:$0x3FB3] =	sst s6  }
0xf: {  	[smem:$0x3FB4] =	sst s7  }
0x10: {  	[smem:$0x3FB5] =	sst s8  }
0x11: {  	[smem:$0x3FB6] =	sst s9;
	s0 =	simm.s32 @!p0 $0x0  }
0x12: {  	s1 =	sld [smem:$0x3F9C];
	s0 =	simm.s32 @p0 $0x1  }
0x13: {  	[smem:$0x3FB7] =	sst s0;
	s0 =	simm.s32 @!p1 $0x0  }
0x14: {  	s2 =	sld [smem:$0x3F9B];
	s0 =	simm.s32 @p1 $0x1  }
0x15: {  	[smem:$0x3FB8] =	sst s0;
	s0 =	simm.s32 @!p2 $0x0  }
0x16: {  	s3 =	sld [smem:$0x3FDB];
	s0 =	simm.s32 @p2 $0x1  }
0x17: {  	s4 =	simm.s32 $0x1BF5;
	[smem:$0x3FBA] =	sst s0  }
0x18: {  	s0 =	sld [smem:$0x3F9D];
	_ =	swait.ge [sflag:s4], $0x0  }
0x19: {  	s7 =	sld [smem:$0x3F9E]  }
0x1a: {  	s8 =	sadd.s32 $0xFFFFE003, lr  }
0x1b: {  	s9 =	sadd.s32 $0xFFFFFEF7, lr;
	s5 =	simm.s32 $0xFFFFFFFF;
	p2 =	slt.u32 s8, $0xFFFFF086  }
0x1c: {  	p1 =	slt.u32 s9, $0xF7A;
	s5 =	simm.s32 @!p2 $0x0  }
0x1d: {  	s5 =	simm.s32 @p1 $0x1;
	p0 =	seq.s32 s7, s2  }
0x1e: {  	s7 =	smul.u32 @!p0 $0xF7A, s2;
	p2 =	seq.s32 @!p0 s5, $0x0  }
0x1f: {  	s9 =	smul.u32 $0xF7A, s1;
	s8 =	simm.s32 @!p0 $0x1BF5;
	p2 =	por !p2, p0  }
0x20: {  	[sflag:s8] =	ssyncset.s32 @!p0 $0xFFFFF086;
	s6 =	sadd.s32 @!p0 s3, s7;
	s7 =	simm.s32 @!p0 $0x108  }
0x21: {  	s3 =	sadd.s32 s3, s9;
	s6 =	sadd.s32 @!p0 $0x88, s6;
	s7 =	simm.s32 @p2 $0x1082  }
0x22: {  	[simem:s7], [sflag:s8] =	dma.local @!p0 [hbm:s6], $0xF7A  }
0x23: {  	s9 =	sor.u32 $0xD0000000, s2;
	s6 =	simm.s32 $0x108;
	_ =	swait.ge @!p0 [sflag:s8], $0x0  }
0x24: {  	s3 =	sadd.s32 $0x88, s3;
	s6 =	simm.s32 @!p1 $0x1082;
	[sflag:s4] =	ssyncset.s32 $0xFFFFF086  }
0x25: {  	[simem:s6], [sflag:s4] =	dma.local [hbm:s3], $0xF7A  }
0x26: {  	[smem:$0x3F9E] =	sst s1;
	(tag) =	ssettag s2;
	_ =	strace s9  }
0x27: {  	s1 =	sld [smem:$0x3FAE]  }
0x28: {  	s2 =	sld [smem:$0x3FAF]  }
0x29: {  	s4 =	sld [smem:$0x3FB1]  }
0x2a: {  	p0 =	seq.s32 s5, $0x0;
	s5 =	sld [smem:$0x3FB2]  }
0x2b: {  	s6 =	sld [smem:$0x3FB3]  }
0x2c: {  	s7 =	sld [smem:$0x3FB4]  }
0x2d: {  	s3 =	simm.s32 $0x108;
	s8 =	sld [smem:$0x3FB5]  }
0x2e: {  	s3 =	simm.s32 @!p0 $0x1082;
	s9 =	sld [smem:$0x3FB6]  }
0x2f: {  	lr =	sadd.s32 s0, s3;
	s0 =	sld [smem:$0x3FAD]  }
0x30: {  	s3 =	sld [smem:$0x3FB0]  }
0x31: {  	[smem:$0x3FB9] =	sst s10  }
0x32: {  	s10 =	sld [smem:$0x3FB7];
	_ =	sdelay $0x3  }
0x33: {  	p0 =	seq.s32 s10, $0x1;
	s10 =	sld [smem:$0x3FB9];
	_ =	sdelay $0x3  }
0x34: {  	[smem:$0x3FB9] =	sst s10  }
0x35: {  	s10 =	sld [smem:$0x3FB8];
	_ =	sdelay $0x3  }
0x36: {  	p1 =	seq.s32 s10, $0x1;
	s10 =	sld [smem:$0x3FB9];
	_ =	sdelay $0x3  }
0x37: {  	[smem:$0x3FB9] =	sst s10  }
0x38: {  	s10 =	sld [smem:$0x3FBA]  }
0x39: {  	_ = 	snop;
	(pc) =	sbr.ind lr, $3  }
0x3a: {  	_ = 	snop  }
0x3b: {  	_ = 	snop  }
0x3c: {  	p2 =	seq.s32 s10, $0x1;
	s10 =	sld [smem:$0x3FB9]  }
0x3d: {  	_ =	shalt  }
0x3e: {  	_ =	shalt  }
0x3f: {  	_ =	shalt  }
0x40: {  	_ =	shalt  }
0x41: {  	_ =	shalt  }
0x42: {  	_ =	shalt  }
0x43: {  	_ =	shalt  }
0x44: {  	_ =	shalt  }
0x45: {  	_ =	shalt  }
0x46: {  	_ =	shalt  }
0x47: {  	_ =	shalt  }
0x48: {  	_ =	shalt  }
0x49: {  	_ =	shalt  }
0x4a: {  	_ =	shalt  }
0x4b: {  	_ =	shalt  }
0x4c: {  	_ =	shalt  }
0x4d: {  	_ =	shalt  }
0x4e: {  	_ =	shalt  }
0x4f: {  	_ =	shalt  }
0x50: {  	_ =	shalt  }
0x51: {  	_ =	shalt  }
0x52: {  	_ =	shalt  }
0x53: {  	_ =	shalt  }
0x54: {  	_ =	shalt  }
0x55: {  	_ =	shalt  }
0x56: {  	_ =	shalt  }
0x57: {  	_ =	shalt  }
0x58: {  	_ =	shalt  }
0x59: {  	_ =	shalt  }
0x5a: {  	_ =	shalt  }
0x5b: {  	_ =	shalt  }
0x5c: {  	_ =	shalt  }
0x5d: {  	_ =	shalt  }
0x5e: {  	_ =	shalt  }
0x5f: {  	_ =	shalt  }
0x60: {  	_ =	shalt  }
0x61: {  	_ =	shalt  }
0x62: {  	_ =	shalt  }
0x63: {  	_ =	shalt  }
0x64: {  	_ =	shalt  }
0x65: {  	_ =	shalt  }
0x66: {  	_ =	shalt  }
0x67: {  	_ =	shalt  }
0x68: {  	_ =	shalt  }
0x69: {  	_ =	shalt  }
0x6a: {  	_ =	shalt  }
0x6b: {  	_ =	shalt  }
0x6c: {  	_ =	shalt  }
0x6d: {  	_ =	shalt  }
0x6e: {  	_ =	shalt  }
0x6f: {  	_ =	shalt  }
0x70: {  	_ =	shalt  }
0x71: {  	_ =	shalt  }
0x72: {  	_ =	shalt  }
0x73: {  	_ =	shalt  }
0x74: {  	_ =	shalt  }
0x75: {  	_ =	shalt  }
0x76: {  	_ =	shalt  }
0x77: {  	_ =	shalt  }
0x78: {  	_ =	shalt  }
0x79: {  	_ =	shalt  }
0x7a: {  	_ =	shalt  }
0x7b: {  	_ =	shalt  }
0x7c: {  	_ =	shalt  }
0x7d: {  	_ =	shalt  }
0x7e: {  	_ =	shalt  }
0x7f: {  	_ =	shalt  }
0x80: {  	_ =	shalt  }
0x81: {  	_ =	shalt  }
0x82: {  	_ =	shalt  }
0x83: {  	_ =	shalt  }
0x84: {  	_ =	shalt  }
0x85: {  	_ =	shalt  }
0x86: {  	_ =	shalt  }
0x87: {  	_ =	shalt  }
.Lfunc_end0:
.L_simem_size_0:
called_computation_lowered:
.L_overlay_start_0:
0x88: {  	s2 =	sld [smem:$0x3FD9]  }
0x89: {  	s3 =	sld [smem:$0x3FFE];
	_ =	sdelay $0x1  }
0x8a: {  	s1 =	srdreg.scid  }
0x8b: {  	s0 =	sand.u32 $0x1, s1  }
0x8c: {  	s17 =	sshll.u32 s0, $0xA;
	s2 =	sadd.s32 s3, s2  }
0x8d: {  	s2 =	sadd.s32 s2, s17  }
0x8e: {  	[smem:$0x3FC5] =	sst s2  }
0x8f: {  	_ = 	snop  }
0x90: {  	s2 =	sld [smem:$0x3FC9]  }
0x91: {  	s18 =	sld [smem:$0x3FD0];
	(tm) =	ssettm $0x1  }
0x92: {  	s4 =	sld [smem:$0x3FFB];
	_ =	sdelay $0x3  }
0x93: {  	_ =	strace s4  }
0x94: {  	s4 =	sld [smem:$0x3FFC];
	_ =	sdelay $0x3  }
0x95: {  	_ =	strace s4  }
0x96: {  	s4 =	sld [smem:$0x3FFD];
	_ =	sdelay $0x3  }
0x97: {  	_ =	strace s4  }
0x98: {  	_ =	strace $0x8FFFFFFF  }
0x99: {  	s19 =	sld [smem:$0x3FDB];
	_ =	sdelay $0x1  }
0x9a: {  	s5 =	simm.s32 $_scs_section_size  }
0x9b: {  	s6 =	simm.s32 $_size__tile_overlayer_lowered;
	s7 =	simm.s32 $_tile_overlayer_lowered  }
0x9c: {  	s22 =	simm.s32 $0x1BFF;
	s21 =	sshll.u32 s7, $0x1;
	s4 =	sadd.s32 s5, s19  }
0x9d: {  	s8 =	simm.s32 $0x0;
	s20 =	sshll.u32 s6, $0x1;
	s6 =	sadd.s32 s21, s4  }
0x9e: {  	[timem:s8], [sflag:s22] =	dma.local [hbm:s6], s20  }
0x9f: {  	_ =	swait.ge [sflag:s22], s20  }
0xa0: {  	s5 =	ssub.s32 $0x0, s20;
	[sflag:s22] =	ssyncset.done $0x0  }
0xa1: {  	[sflag:s22] =	ssyncadd.s32 s5;
	_ =	sdelay $0x1  }
0xa2: {  	s23 =	simm.s32 $0x1B8B  }
0xa3: {  	_ =	swait.ge [sflag:s23], $0x1  }
0xa4: {  	[sflag:s23] =	ssyncset.done $0x0  }
0xa5: {  	s25 =	simm.s32 $0x1B8E;
	s24 =	sld [smem:$0x3FFE];
	[sflag:s23] =	ssyncadd.s32 $0xFFFFFFFF  }
0xa6: {  	s26 =	simm.s32 $execute0_lowered;
	[smem:$0x3FD2] =	sst s25  }
0xa7: {  	s6 =	sshll.u32 s26, $0x1;
	_ =	strace $0x80000046;
	[dreg:$0x1] =	wrdreg $0xFFFFFFFF  }
0xa8: {  	s28 =	simm.s32 $_size_execute0_lowered;
	s4 =	sadd.s32 s4, s6;
	[dreg:$0x0] =	wrdreg $0x0  }
0xa9: {  	s6 =	sshll.u32 s28, $0x1;
	[dreg:$0x2] =	wrdreg s4  }
0xaa: {  	[dreg:$0x3] =	wrdreg s6  }
0xab: {  	[dreg:$0x4] =	wrdreg $0xC0  }
0xac: {  	_ =	task [dreg:s8], $0x5FFFF  }
0xad: {  	[dreg:$0x1] =	wrdreg $0xFFFFFFFF  }
0xae: {  	[dreg:$0x0] =	wrdreg $0x60  }
0xaf: {  	[dreg:$0x2] =	wrdreg s2  }
0xb0: {  	[dreg:$0x3] =	wrdreg s24  }
0xb1: {  	[dreg:$0x4] =	wrdreg s18  }
0xb2: {  	[dreg:$0x5] =	wrdreg $0x0  }
0xb3: {  	[dreg:$0x6] =	wrdreg $0x13C800  }
0xb4: {  	[dreg:$0x7] =	wrdreg $0x9  }
0xb5: {  	_ =	task.clear_ibuf [dreg:s8], $0x8FFFF;
	_ =	strace $0x90000046  }
0xb6: {  	s29 =	simm.s32 $0x9;
	_ =	strace $0x80000048  }
0xb7: {  	_ =	swait.ge [sflag:s29], $0x1  }
0xb8: {  	[sflag:s29] =	ssyncadd.s32 $0xFFFFFFFF  }
0xb9: {  	_ =	strace $0x90000048  }
0xba: {  	_ =	sfence  }
0xbb: {  	s30 =	sld [smem:$0x0];
	_ =	sdelay $0x2  }
0xbc: {  	s31 =	sshll.u32 s1, $0xD;
	s1 =	sshrl.u32 s1, $0x2  }
0xbd: {  	s3 =	sand.u32 $0x4000, s31;
	s1 =	sadd.s32 s1, s30  }
0xbe: {  	s0 =	sor.u32 s3, s0;
	s1 =	sshll.u32 s1, $0x11  }
0xbf: {  	s0 =	sor.u32 s1, s0  }
0xc0: {  	s0 =	sadd.s32 $0x8F2B, s0  }
0xc1: {  	[sflag:s0] =	ssyncadd.remote.s32 $0x1  }
0xc2: {  	_ =	sfence.sel $0xFFFF  }
0xc3: {  	[dreg:$0x0] =	wrdreg $0xFFFFFFFF;
	(pc) =	sbr.abs _section_cstart, $3  }
0xc4: {  	[dreg:$0x1] =	wrdreg $0xFFFFFFFF  }
0xc5: {  	_ =	task.clear_ibuf [dreg:s8], $0x2FFFF;
	_ =	strace $0x9FFFFFFF  }
0xc6: {  	(tm) =	ssettm $0x7FFFFFFF  }
0xc7: {  	_ =	shalt  }
tec
execute0_lowered:
.L_overlay_start_1:
0x0: {  	(tag) =	ssettag $0x1  }
0x1: {  	s0 =	rddreg [dreg:$0x0]  }
0x2: {  	s1 =	rddreg [dreg:$0x1]  }
0x3: {  	s2 =	rddreg [dreg:$0x2]  }
0x4: {  	s3 =	rddreg [dreg:$0x3];
	s5 =	srdreg.scid  }
0x5: {  	s18 =	stileid.u32;
	s4 =	rddreg [dreg:$0x4]  }
0x6: {  	s28 =	simm.s32 $0x3;
	s29 =	simm.s32 $0x4;
	s30 =	simm.s32 $0x1  }
0x7: {  	s31 =	simm.s32 $0x2;
	s6 =	sand.u32 $0x1, s5;
	s11 =	smul.u32 $0x278, s18  }
0x8: {  	s5 =	simm.s32 $0x0;
	s13 =	sadd.s32 $0xE00, s1;
	s8 =	smul.u32 $0x4F000, s18  }
0x9: {  	s14 =	sadd.s32 $0xAE00, s1;
	s10 =	sshll.u32 s18, $0x1;
	s19 =	sadd.s32 $0x13C000, s3  }
0xa: {  	s25 =	sadd.s32 $0x2780, s4;
	p0 =	sne.s32 s18, $0xF;
	p1 =	seq.s32 s18, $0xF  }
0xb: {  	s18 =	simm.s32 $0x14000;
	s7 =	smul.u32 $0x2710, s6;
	[smem:$0x7FF] =	sst s5  }
0xc: {  	s24 =	ssub.s32 $0x2, s6;
	s16 =	sor.u32 s6, s10;
	_ =	strace $0x80000047  }
0xd: {  	s9 =	sshrl.u32 s24, $0x1;
	s17 =	smul.u32 $0x500, s16;
	[dreg:$0x6] =	wrdreg s19  }
0xe: {  	s8 =	sshrl.u32 s8, $0x2;
	s16 =	smul.u32 $0x2800, s16;
	[dreg:$0x7] =	wrdreg s25  }
0xf: {  	s19 =	simm.s32 $0x5;
	s12 =	sadd.s32 s11, s7;
	s15 =	ssub.s32 s24, s9  }
0x10: {  	s6 =	sadd.s32 s8, s3;
	s11 =	sadd.s32 s11, s4;
	s7 =	sshrl.u32 s12, $0x3  }
0x11: {  	s8 =	sadd.s32 $0x8000, s6;
	s9 =	sadd.s32 $0xC000, s6;
	s10 =	sadd.s32 $0x10000, s6  }
0x12: {  	s26 =	sadd.s32 s13, s17;
	s16 =	sshrl.u32 s16, $0x3;
	s12 =	sshll.u32 s12, $0x4  }
0x13: {  	s17 =	sadd.s32 s14, s17;
	s1 =	sadd.s32 s7, s1;
	[dreg:$0x8] =	wrdreg s26  }
0x14: {  	s7 =	sadd.s32 $0x4000, s6;
	[dreg:$0x9] =	wrdreg s17;
	s20 =	sadd.s32 $0x280, s16  }
0x15: {  	s16 =	sadd.s32 s2, s12;
	s26 =	smax.u32 s15, $0x1;
	s2 =	simm.s32 $0x13F00  }
0x16: {  	s12 =	simm.s32 $0x80;
	s21 =	sadd.s32 s13, s20;
	[dreg:$0xf] =	wrdreg s26  }
0x17: {  	s15 =	simm.s32 $0x1A700;
	s22 =	sadd.s32 s14, s20;
	[dreg:$0xa] =	wrdreg s21  }
0x18: {  	s17 =	simm.s32 $0x15380;
	s23 =	sadd.s32 $0x800, s16;
	[dreg:$0xb] =	wrdreg s22  }
0x19: {  	s24 =	sadd.s32 $0x1000, s16;
	s25 =	sadd.s32 $0x1800, s16;
	[dreg:$0xc] =	wrdreg s23  }
0x1a: {  	s26 =	simm.s32 $0x15300;
	s13 =	simm.s32 $0x1E700;
	[dreg:$0xd] =	wrdreg s24  }
0x1b: {  	s20 =	simm.s32 $0x0;
	[dreg:$0xe] =	wrdreg s25;
	s22 =	sadd.s32 $0x2000, s16  }
0x1c: {  	v0 =	vimm.f32 $0.0e+00;
	v1 =	vimm.f32 $1.000000000e+00;
	s23 =	sadd.s32 $0x14E00, s1;
	s25 =	simm.s32 $0x16700;
	s1 =	simm.s32 $0x6  }
.LBB2_1:
0x1d: {  	s21 =	simm.s32 $0x0;
	s24 =	simm.s32 $0x200  }
.LBB2_2:
0x1e: {  	p2 =	sne.s32 s24, $0xFE00;
	[tilespmem:s21+$0x16770] =	vst v0  }
0x1f: {  	[tilespmem:s21+$0x16700] =	vst v0  }
0x20: {  	[tilespmem:s21+$0x16710] =	vst v0  }
.Ltmp0:
0x21: {  	[tilespmem:s21+$0x16720] =	vst v0;
	(pc) =	sbr.rel @p2 .LBB2_2-.Ltmp0, $4  }
0x22: {  	[tilespmem:s21+$0x16730] =	vst v0  }
0x23: {  	[tilespmem:s21+$0x16740] =	vst v0  }
0x24: {  	[tilespmem:s21+$0x16750] =	vst v0  }
0x25: {  	[tilespmem:s21+$0x16760] =	vst v0;
	s21 =	sshra.s32 s24, $0x2;
	s24 =	sadd.s32 $0x200, s24  }
0x26: {  	[tilespmem:s21+$0x16770] =	vst v0  }
0x27: {  	[tilespmem:s21+$0x16700] =	vst v0  }
0x28: {  	[tilespmem:s21+$0x16710] =	vst v0  }
0x29: {  	[tilespmem:s21+$0x16720] =	vst v0  }
0x2a: {  	[tilespmem:s21+$0x16730] =	vst v0  }
0x2b: {  	[tilespmem:s21+$0x16740] =	vst v0  }
0x2c: {  	[tilespmem:s21+$0x16750] =	vst v0  }
0x2d: {  	[tilespmem:s21+$0x16760] =	vst v0  }
0x2e: {  	[tilespmem:$0x1E780] =	vst v0  }
0x2f: {  	[tilespmem:$0x1E790] =	vst v0  }
0x30: {  	[tilespmem:$0x1E7A0] =	vst v0  }
0x31: {  	[tilespmem:$0x1E7B0] =	vst v0  }
0x32: {  	[tilespmem:$0x1E7C0] =	vst v0  }
0x33: {  	[tilespmem:$0x1E7D0] =	vst v0  }
0x34: {  	[tilespmem:$0x1E7E0] =	vst v0  }
0x35: {  	[tilespmem:$0x1E7F0] =	vst v0  }
0x36: {  	[tilespmem:$0x1E800] =	vst v0  }
0x37: {  	[tilespmem:$0x1E810] =	vst v0  }
0x38: {  	[tilespmem:$0x1E820] =	vst v0  }
0x39: {  	[tilespmem:$0x1E830] =	vst v0  }
0x3a: {  	[tilespmem:$0x1E840] =	vst v0  }
0x3b: {  	[tilespmem:$0x1E850] =	vst v0  }
0x3c: {  	[tilespmem:$0x1E860] =	vst v0  }
0x3d: {  	[tilespmem:$0x1E870] =	vst v0  }
0x3e: {  	[tilespmem:$0x1E880] =	vst v0  }
0x3f: {  	[tilespmem:$0x1E890] =	vst v0  }
0x40: {  	[tilespmem:$0x1E8A0] =	vst v0  }
0x41: {  	[tilespmem:$0x1E8B0] =	vst v0  }
0x42: {  	[tilespmem:$0x1E8C0] =	vst v0  }
0x43: {  	[tilespmem:$0x1E8D0] =	vst v0  }
0x44: {  	[tilespmem:$0x1E8E0] =	vst v0  }
0x45: {  	[tilespmem:$0x1E8F0] =	vst v0  }
0x46: {  	[tilespmem:$0x1E900] =	vst v0  }
0x47: {  	[tilespmem:$0x1E910] =	vst v0  }
0x48: {  	[tilespmem:$0x1E920] =	vst v0  }
0x49: {  	[tilespmem:$0x1E930] =	vst v0  }
0x4a: {  	[tilespmem:$0x1E940] =	vst v0  }
0x4b: {  	[tilespmem:$0x1E950] =	vst v0  }
0x4c: {  	[tilespmem:$0x1E960] =	vst v0  }
0x4d: {  	[tilespmem:$0x1E970] =	vst v0  }
0x4e: {  	[tilespmem:$0x1E980] =	vst v0  }
0x4f: {  	[tilespmem:$0x1E990] =	vst v0  }
0x50: {  	[tilespmem:$0x1E9A0] =	vst v0  }
0x51: {  	[tilespmem:$0x1E9B0] =	vst v0  }
0x52: {  	[tilespmem:$0x1E9C0] =	vst v0  }
0x53: {  	[tilespmem:$0x1E9D0] =	vst v0  }
0x54: {  	[tilespmem:$0x1E9E0] =	vst v0  }
0x55: {  	[tilespmem:$0x1E9F0] =	vst v0  }
0x56: {  	[tilespmem:$0x1E700] =	vst v1  }
0x57: {  	[tilespmem:$0x1E710] =	vst v1  }
0x58: {  	[tilespmem:$0x1E720] =	vst v1  }
0x59: {  	[tilespmem:$0x1E730] =	vst v1  }
0x5a: {  	[tilespmem:$0x1E740] =	vst v1  }
0x5b: {  	[tilespmem:$0x1E750] =	vst v1  }
0x5c: {  	[tilespmem:$0x1E760] =	vst v1  }
0x5d: {  	[tilespmem:$0x1E770] =	vst v1  }
0x5e: {  	[spmem:s6] =	stream.linear.scatter [tilespmem:s25], [sflag:$0x3], $0x4000, $0x38;
	[tilespmem:$0x1EA80] =	vst v63  }
0x5f: {  	_ = 	snop  }
0x60: {  	[spmem:s7] =	stream.linear.scatter [tilespmem:s25], [sflag:$0x4], $0x4000, $0x38;
	[tilespmem:$0x1EA80] =	vst v63  }
0x61: {  	_ = 	snop  }
0x62: {  	[spmem:s8] =	stream.linear.scatter [tilespmem:s25], [sflag:$0x3], $0x4000, $0x38;
	[tilespmem:$0x1EA80] =	vst v63  }
0x63: {  	_ = 	snop  }
0x64: {  	[spmem:s9] =	stream.linear.scatter [tilespmem:s25], [sflag:$0x4], $0x4000, $0x38;
	[tilespmem:$0x1EA80] =	vst v63  }
0x65: {  	_ = 	snop  }
0x66: {  	[spmem:s10] =	stream.linear.scatter [tilespmem:s25], [sflag:$0x1], $0x3C00, $0x38;
	[tilespmem:$0x1EA80] =	vst v63  }
0x67: {  	s14 =	simm.s32 $0x1E780  }
0x68: {  	[spmem:s11] =	stream.linear.scatter [tilespmem:s14], [sflag:$0x2], $0x278, $0x38;
	[tilespmem:$0x1EA80] =	vst v63  }
0x69: {  	s21 =	simm.s32 @!p0 $0x16700;
	s14 =	rddreg [dreg:$0x6]  }
0x6a: {  	[spmem:s14] =	stream.linear.scatter @!p0 [tilespmem:s21], [sflag:$0x6], $0x800, $0x38;
	[tilespmem:$0x1EA80] =	vst v63  }
0x6b: {  	s21 =	simm.s32 @!p0 $0x6  }
0x6c: {  	_ =	swait.ge @!p0 [sflag:s21], $0x800  }
0x6d: {  	[sflag:s21] =	ssyncset.done @!p0 $0x0  }
0x6e: {  	s24 =	simm.s32 @!p0 $0x1E780;
	s14 =	rddreg [dreg:$0x7];
	[sflag:s21] =	ssyncadd.s32 @!p0 $0xFFFFF800  }
0x6f: {  	[spmem:s14] =	stream.linear.scatter @!p0 [tilespmem:s24], [sflag:$0x6], $0x10, $0x38;
	[tilespmem:$0x1EA80] =	vst v63  }
0x70: {  	_ =	swait.ge @!p0 [sflag:s21], $0x10  }
0x71: {  	[sflag:s21] =	ssyncset.done @!p0 $0x0  }
0x72: {  	[sflag:s21] =	ssyncadd.s32 @!p0 $0xFFFFFFF0  }
0x73: {  	_ =	swait.ge [sflag:s28], $0x4000  }
0x74: {  	[sflag:s28] =	ssyncset.done $0x0  }
0x75: {  	[sflag:s28] =	ssyncadd.s32 $0xFFFFC000  }
0x76: {  	_ =	swait.ge [sflag:s29], $0x4000  }
0x77: {  	[sflag:s29] =	ssyncset.done $0x0  }
0x78: {  	[sflag:s29] =	ssyncadd.s32 $0xFFFFC000  }
0x79: {  	_ =	swait.ge [sflag:s28], $0x4000  }
0x7a: {  	[sflag:s28] =	ssyncset.done $0x0  }
0x7b: {  	[sflag:s28] =	ssyncadd.s32 $0xFFFFC000  }
0x7c: {  	_ =	swait.ge [sflag:s29], $0x4000  }
0x7d: {  	[sflag:s29] =	ssyncset.done $0x0  }
0x7e: {  	[sflag:s29] =	ssyncadd.s32 $0xFFFFC000  }
0x7f: {  	_ =	swait.ge [sflag:s30], $0x3C00  }
0x80: {  	[sflag:s30] =	ssyncset.done $0x0  }
0x81: {  	[sflag:s30] =	ssyncadd.s32 $0xFFFFC400  }
0x82: {  	_ =	swait.ge [sflag:s31], $0x278  }
0x83: {  	[sflag:s31] =	ssyncset.done $0x0  }
0x84: {  	[sflag:s31] =	ssyncadd.s32 $0xFFFFFD88  }
0x85: {  	[bflag:$0x0] =	sbarrier.arrive $0xFFFF  }
0x86: {  	s24 =	rddreg [dreg:$0x8]  }
0x87: {  	[tilespmem:s2], [sflag:$0x6] =	stream.linear.gather [hbm4b:s24+s5], $0x1400, $0x38;
	[tilespmem:$0x1EA80] =	vst v63  }
0x88: {  	_ =	swait.ge [sflag:s1], $0x1400  }
0x89: {  	[sflag:s1] =	ssyncset.done $0x0  }
0x8a: {  	s21 =	rddreg [dreg:$0x9];
	[sflag:s1] =	ssyncadd.s32 $0xFFFFEC00  }
0x8b: {  	[tilespmem:s26], [sflag:$0x6] =	stream.linear.gather [hbm4b:s21+s5], $0x1400, $0x38;
	[tilespmem:$0x1EA80] =	vst v63  }
0x8c: {  	_ =	swait.ge [sflag:s1], $0x1400  }
0x8d: {  	[sflag:s1] =	ssyncset.done $0x0  }
0x8e: {  	[sflag:s1] =	ssyncadd.s32 $0xFFFFEC00  }
0x8f: {  	[tilespmem:s25], [sflag:$0x1] =	stream.indirect.gather [hbm4b:s0+s12], $0x80, s2, s12, $0xb8;
	[tilespmem:$0x1EA80] =	vst v63  }
0x90: {  	_ =	swait.ge [sflag:s30], $0x4000  }
0x91: {  	[sflag:s30] =	ssyncset.done $0x0  }
0x92: {  	[sflag:s30] =	ssyncadd.s32 $0xFFFFC000  }
0x93: {  	[spmem:s3] =	stream.indirect.scatter.add.f32 [tilespmem:s25], [sflag:$0x3], $0x80, s26, s12, $0xb8;
	[tilespmem:$0x1EA80] =	vst v63  }
0x94: {  	_ = 	snop  }
0x95: {  	[spmem:s4] =	stream.indirect.scatter.add.f32 [tilespmem:s13], [sflag:$0x5], $0x1, s26, s12, $0xb8;
	[tilespmem:$0x1EA80] =	vst v63  }
0x96: {  	s24 =	simm.s32 $0x13F80  }
0x97: {  	[tilespmem:s15], [sflag:$0x2] =	stream.indirect.gather [hbm4b:s0+s12], $0x80, s24, s12, $0xb8;
	[tilespmem:$0x1EA80] =	vst v63  }
0x98: {  	_ =	swait.ge [sflag:s31], $0x4000  }
0x99: {  	[sflag:s31] =	ssyncset.done $0x0  }
0x9a: {  	[sflag:s31] =	ssyncadd.s32 $0xFFFFC000  }
0x9b: {  	[spmem:s3] =	stream.indirect.scatter.add.f32 [tilespmem:s15], [sflag:$0x4], $0x80, s17, s12, $0xb8;
	[tilespmem:$0x1EA80] =	vst v63  }
0x9c: {  	_ = 	snop  }
0x9d: {  	[spmem:s4] =	stream.indirect.scatter.add.f32 [tilespmem:s13], [sflag:$0x5], $0x1, s17, s12, $0xb8;
	[tilespmem:$0x1EA80] =	vst v63  }
0x9e: {  	_ =	swait.ge [sflag:s28], $0x4000  }
0x9f: {  	[sflag:s28] =	ssyncset.done $0x0  }
0xa0: {  	s21 =	simm.s32 $0xFFFFB800;
	[sflag:s28] =	ssyncadd.s32 $0xFFFFC000  }
0xa1: {  	[tilespmem:s25], [sflag:$0x1] =	stream.indirect.gather [hbm4b:s0+s12], $0x80, s18, s12, $0xb8;
	[tilespmem:$0x1EA80] =	vst v63  }
.LBB2_4:
0xa2: {  	_ =	swait.ge [sflag:s30], $0x4000  }
0xa3: {  	s24 =	sshra.s32 s21, $0x2;
	[sflag:s30] =	ssyncset.done $0x0  }
0xa4: {  	s14 =	sadd.s32 $0x16600, s24;
	[sflag:s30] =	ssyncadd.s32 $0xFFFFC000  }
0xa5: {  	[spmem:s3] =	stream.indirect.scatter.add.f32 [tilespmem:s25], [sflag:$0x3], $0x80, s14, s12, $0xb8;
	[tilespmem:$0x1EA80] =	vst v63  }
0xa6: {  	_ = 	snop  }
0xa7: {  	[spmem:s4] =	stream.indirect.scatter.add.f32 [tilespmem:s13], [sflag:$0x5], $0x1, s14, s12, $0xb8;
	[tilespmem:$0x1EA80] =	vst v63  }
0xa8: {  	_ =	swait.ge [sflag:s29], $0x4000  }
0xa9: {  	[sflag:s29] =	ssyncset.done $0x0  }
0xaa: {  	s14 =	sadd.s32 $0x15280, s24;
	[sflag:s29] =	ssyncadd.s32 $0xFFFFC000  }
0xab: {  	[tilespmem:s15], [sflag:$0x2] =	stream.indirect.gather [hbm4b:s0+s12], $0x80, s14, s12, $0xb8;
	[tilespmem:$0x1EA80] =	vst v63  }
0xac: {  	_ =	swait.ge [sflag:s31], $0x4000  }
0xad: {  	[sflag:s31] =	ssyncset.done $0x0  }
0xae: {  	p2 =	seq.s32 s21, $0x0;
	s14 =	sadd.s32 $0x16680, s24;
	[sflag:s31] =	ssyncadd.s32 $0xFFFFC000  }
0xaf: {  	[spmem:s3] =	stream.indirect.scatter.add.f32 [tilespmem:s15], [sflag:$0x4], $0x80, s14, s12, $0xb8;
	[tilespmem:$0x1EA80] =	vst v63  }
.Ltmp1:
0xb0: {  	_ = 	snop;
	(pc) =	sbr.rel @p2 .LBB2_6-.Ltmp1, $4  }
0xb1: {  	[spmem:s4] =	stream.indirect.scatter.add.f32 [tilespmem:s13], [sflag:$0x5], $0x1, s14, s12, $0xb8;
	[tilespmem:$0x1EA80] =	vst v63  }
0xb2: {  	_ =	swait.ge [sflag:s28], $0x4000  }
0xb3: {  	[sflag:s28] =	ssyncset.done $0x0  }
0xb4: {  	[sflag:s28] =	ssyncadd.s32 $0xFFFFC000  }
.Ltmp2:
0xb5: {  	(pc) =	sbr.rel .LBB2_4-.Ltmp2, $3  }
0xb6: {  	_ =	sdelay $0x1  }
0xb7: {  	s14 =	sadd.s32 $0x15300, s24;
	s21 =	sadd.s32 $0x400, s21  }
0xb8: {  	[tilespmem:s25], [sflag:$0x1] =	stream.indirect.gather [hbm4b:s0+s12], $0x80, s14, s12, $0xb8;
	[tilespmem:$0x1EA80] =	vst v63  }
.LBB2_6:
0xb9: {  	_ =	swait.ge [sflag:s29], $0x4000  }
0xba: {  	[sflag:s29] =	ssyncset.done $0x0  }
0xbb: {  	[sflag:s29] =	ssyncadd.s32 $0xFFFFC000  }
0xbc: {  	_ =	swait.ge [sflag:s19], $0x80  }
0xbd: {  	s21 =	simm.s32 $0x27;
	[sflag:s19] =	ssyncset.done $0x0  }
.LBB2_7:
0xbe: {  	p2 =	sne.s32 s21, $0x1;
	s21 =	sadd.s32 $0xFFFFFFFF, s21;
	[sflag:s19] =	ssyncadd.s32 $0xFFFFFF80  }
.Ltmp3:
0xbf: {  	(pc) =	sbr.rel @p2 .LBB2_7-.Ltmp3, $3  }
0xc0: {  	_ =	sdelay $0x1  }
0xc1: {  	_ =	swait.ge [sflag:s19], $0x80  }
0xc2: {  	[sflag:s19] =	ssyncset.done $0x0  }
0xc3: {  	[sflag:s19] =	ssyncadd.s32 $0xFFFFFF80;
	s14 =	rddreg [dreg:$0xa]  }
0xc4: {  	[tilespmem:s2], [sflag:$0x6] =	stream.linear.gather [hbm4b:s14+s5], $0x1400, $0x38;
	[tilespmem:$0x1EA80] =	vst v63  }
0xc5: {  	_ =	swait.ge [sflag:s1], $0x1400  }
0xc6: {  	[sflag:s1] =	ssyncset.done $0x0  }
0xc7: {  	s21 =	rddreg [dreg:$0xb];
	[sflag:s1] =	ssyncadd.s32 $0xFFFFEC00  }
0xc8: {  	[tilespmem:s26], [sflag:$0x6] =	stream.linear.gather [hbm4b:s21+s5], $0x1400, $0x38;
	[tilespmem:$0x1EA80] =	vst v63  }
0xc9: {  	_ =	swait.ge [sflag:s1], $0x1400  }
0xca: {  	[sflag:s1] =	ssyncset.done $0x0  }
0xcb: {  	[sflag:s1] =	ssyncadd.s32 $0xFFFFEC00  }
0xcc: {  	[tilespmem:s25], [sflag:$0x1] =	stream.indirect.gather [hbm4b:s0+s12], $0x80, s2, s12, $0xb8;
	[tilespmem:$0x1EA80] =	vst v63  }
0xcd: {  	_ =	swait.ge [sflag:s30], $0x4000  }
0xce: {  	[sflag:s30] =	ssyncset.done $0x0  }
0xcf: {  	[sflag:s30] =	ssyncadd.s32 $0xFFFFC000  }
0xd0: {  	[spmem:s3] =	stream.indirect.scatter.add.f32 [tilespmem:s25], [sflag:$0x3], $0x80, s26, s12, $0xb8;
	[tilespmem:$0x1EA80] =	vst v63  }
0xd1: {  	_ = 	snop  }
0xd2: {  	[spmem:s4] =	stream.indirect.scatter.add.f32 [tilespmem:s13], [sflag:$0x5], $0x1, s26, s12, $0xb8;
	[tilespmem:$0x1EA80] =	vst v63  }
0xd3: {  	s24 =	simm.s32 $0x13F80  }
0xd4: {  	[tilespmem:s15], [sflag:$0x2] =	stream.indirect.gather [hbm4b:s0+s12], $0x80, s24, s12, $0xb8;
	[tilespmem:$0x1EA80] =	vst v63  }
0xd5: {  	_ =	swait.ge [sflag:s31], $0x4000  }
0xd6: {  	[sflag:s31] =	ssyncset.done $0x0  }
0xd7: {  	[sflag:s31] =	ssyncadd.s32 $0xFFFFC000  }
0xd8: {  	[spmem:s3] =	stream.indirect.scatter.add.f32 [tilespmem:s15], [sflag:$0x4], $0x80, s17, s12, $0xb8;
	[tilespmem:$0x1EA80] =	vst v63  }
0xd9: {  	_ = 	snop  }
0xda: {  	[spmem:s4] =	stream.indirect.scatter.add.f32 [tilespmem:s13], [sflag:$0x5], $0x1, s17, s12, $0xb8;
	[tilespmem:$0x1EA80] =	vst v63  }
0xdb: {  	_ =	swait.ge [sflag:s28], $0x4000  }
0xdc: {  	[sflag:s28] =	ssyncset.done $0x0  }
0xdd: {  	s21 =	simm.s32 $0xFFFFB800;
	[sflag:s28] =	ssyncadd.s32 $0xFFFFC000  }
0xde: {  	[tilespmem:s25], [sflag:$0x1] =	stream.indirect.gather [hbm4b:s0+s12], $0x80, s18, s12, $0xb8;
	[tilespmem:$0x1EA80] =	vst v63  }
.LBB2_9:
0xdf: {  	_ =	swait.ge [sflag:s30], $0x4000  }
0xe0: {  	s24 =	sshra.s32 s21, $0x2;
	[sflag:s30] =	ssyncset.done $0x0  }
0xe1: {  	s14 =	sadd.s32 $0x16600, s24;
	[sflag:s30] =	ssyncadd.s32 $0xFFFFC000  }
0xe2: {  	[spmem:s3] =	stream.indirect.scatter.add.f32 [tilespmem:s25], [sflag:$0x3], $0x80, s14, s12, $0xb8;
	[tilespmem:$0x1EA80] =	vst v63  }
0xe3: {  	_ = 	snop  }
0xe4: {  	[spmem:s4] =	stream.indirect.scatter.add.f32 [tilespmem:s13], [sflag:$0x5], $0x1, s14, s12, $0xb8;
	[tilespmem:$0x1EA80] =	vst v63  }
0xe5: {  	_ =	swait.ge [sflag:s29], $0x4000  }
0xe6: {  	[sflag:s29] =	ssyncset.done $0x0  }
0xe7: {  	s14 =	sadd.s32 $0x15280, s24;
	[sflag:s29] =	ssyncadd.s32 $0xFFFFC000  }
0xe8: {  	[tilespmem:s15], [sflag:$0x2] =	stream.indirect.gather [hbm4b:s0+s12], $0x80, s14, s12, $0xb8;
	[tilespmem:$0x1EA80] =	vst v63  }
0xe9: {  	_ =	swait.ge [sflag:s31], $0x4000  }
0xea: {  	[sflag:s31] =	ssyncset.done $0x0  }
0xeb: {  	p2 =	seq.s32 s21, $0x0;
	s14 =	sadd.s32 $0x16680, s24;
	[sflag:s31] =	ssyncadd.s32 $0xFFFFC000  }
0xec: {  	[spmem:s3] =	stream.indirect.scatter.add.f32 [tilespmem:s15], [sflag:$0x4], $0x80, s14, s12, $0xb8;
	[tilespmem:$0x1EA80] =	vst v63  }
.Ltmp4:
0xed: {  	_ = 	snop;
	(pc) =	sbr.rel @p2 .LBB2_11-.Ltmp4, $4  }
0xee: {  	[spmem:s4] =	stream.indirect.scatter.add.f32 [tilespmem:s13], [sflag:$0x5], $0x1, s14, s12, $0xb8;
	[tilespmem:$0x1EA80] =	vst v63  }
0xef: {  	_ =	swait.ge [sflag:s28], $0x4000  }
0xf0: {  	[sflag:s28] =	ssyncset.done $0x0  }
0xf1: {  	[sflag:s28] =	ssyncadd.s32 $0xFFFFC000  }
.Ltmp5:
0xf2: {  	(pc) =	sbr.rel .LBB2_9-.Ltmp5, $3  }
0xf3: {  	_ =	sdelay $0x1  }
0xf4: {  	s14 =	sadd.s32 $0x15300, s24;
	s21 =	sadd.s32 $0x400, s21  }
0xf5: {  	[tilespmem:s25], [sflag:$0x1] =	stream.indirect.gather [hbm4b:s0+s12], $0x80, s14, s12, $0xb8;
	[tilespmem:$0x1EA80] =	vst v63  }
.LBB2_11:
0xf6: {  	_ =	swait.ge [sflag:s29], $0x4000  }
0xf7: {  	[sflag:s29] =	ssyncset.done $0x0  }
0xf8: {  	[sflag:s29] =	ssyncadd.s32 $0xFFFFC000  }
0xf9: {  	_ =	swait.ge [sflag:s19], $0x80  }
0xfa: {  	s21 =	simm.s32 $0x27;
	[sflag:s19] =	ssyncset.done $0x0  }
.LBB2_12:
0xfb: {  	p2 =	sne.s32 s21, $0x1;
	s21 =	sadd.s32 $0xFFFFFFFF, s21;
	[sflag:s19] =	ssyncadd.s32 $0xFFFFFF80  }
.Ltmp6:
0xfc: {  	(pc) =	sbr.rel @p2 .LBB2_12-.Ltmp6, $3  }
0xfd: {  	_ =	sdelay $0x1  }
0xfe: {  	_ =	swait.ge [sflag:s19], $0x80  }
0xff: {  	[sflag:s19] =	ssyncset.done $0x0  }
0x100: {  	[sflag:s19] =	ssyncadd.s32 $0xFFFFFF80  }
0x101: {  	[bflag:$0x0] =	sbarrier.arrive $0xFFFF  }
0x102: {  	[tilespmem:s25], [sflag:$0x6] =	stream.linear.gather [spmem:s6], $0x4000, $0x38;
	[tilespmem:$0x1EA80] =	vst v63  }
0x103: {  	_ =	swait.ge [sflag:s1], $0x4000  }
0x104: {  	[sflag:s1] =	ssyncset.done $0x0  }
0x105: {  	[sflag:s1] =	ssyncadd.s32 $0xFFFFC000  }
0x106: {  	[hbm4b:s16+s5] =	stream.linear.scatter [tilespmem:s25], [sflag:$0x3], $0x4000, $0x38;
	[tilespmem:$0x1EA80] =	vst v63  }
0x107: {  	_ = 	snop  }
0x108: {  	[tilespmem:s15], [sflag:$0x6] =	stream.linear.gather [spmem:s7], $0x4000, $0x38;
	[tilespmem:$0x1EA80] =	vst v63  }
0x109: {  	_ =	swait.ge [sflag:s1], $0x4000  }
0x10a: {  	[sflag:s1] =	ssyncset.done $0x0  }
0x10b: {  	s14 =	rddreg [dreg:$0xc];
	[sflag:s1] =	ssyncadd.s32 $0xFFFFC000  }
0x10c: {  	[hbm4b:s14+s5] =	stream.linear.scatter [tilespmem:s15], [sflag:$0x4], $0x4000, $0x38;
	[tilespmem:$0x1EA80] =	vst v63  }
0x10d: {  	_ =	swait.ge [sflag:s28], $0x4000  }
0x10e: {  	[sflag:s28] =	ssyncset.done $0x0  }
0x10f: {  	[sflag:s28] =	ssyncadd.s32 $0xFFFFC000  }
0x110: {  	[tilespmem:s25], [sflag:$0x6] =	stream.linear.gather [spmem:s8], $0x4000, $0x38;
	[tilespmem:$0x1EA80] =	vst v63  }
0x111: {  	_ =	swait.ge [sflag:s1], $0x4000  }
0x112: {  	[sflag:s1] =	ssyncset.done $0x0  }
0x113: {  	s24 =	rddreg [dreg:$0xd];
	[sflag:s1] =	ssyncadd.s32 $0xFFFFC000  }
0x114: {  	[hbm4b:s24+s5] =	stream.linear.scatter [tilespmem:s25], [sflag:$0x3], $0x4000, $0x38;
	[tilespmem:$0x1EA80] =	vst v63  }
0x115: {  	_ =	swait.ge [sflag:s29], $0x4000  }
0x116: {  	[sflag:s29] =	ssyncset.done $0x0  }
0x117: {  	[sflag:s29] =	ssyncadd.s32 $0xFFFFC000  }
0x118: {  	[tilespmem:s15], [sflag:$0x6] =	stream.linear.gather [spmem:s9], $0x4000, $0x38;
	[tilespmem:$0x1EA80] =	vst v63  }
0x119: {  	_ =	swait.ge [sflag:s1], $0x4000  }
0x11a: {  	[sflag:s1] =	ssyncset.done $0x0  }
0x11b: {  	s21 =	rddreg [dreg:$0xe];
	[sflag:s1] =	ssyncadd.s32 $0xFFFFC000  }
0x11c: {  	[hbm4b:s21+s5] =	stream.linear.scatter [tilespmem:s15], [sflag:$0x4], $0x4000, $0x38;
	[tilespmem:$0x1EA80] =	vst v63  }
0x11d: {  	_ =	swait.ge [sflag:s28], $0x4000  }
0x11e: {  	[sflag:s28] =	ssyncset.done $0x0  }
0x11f: {  	s14 =	simm.s32 @p1 $0x16700;
	s21 =	simm.s32 @p1 $0x6;
	[sflag:s28] =	ssyncadd.s32 $0xFFFFC000  }
0x120: {  	[tilespmem:s14], [sflag:$0x6] =	stream.linear.gather @p1 [spmem:s10], $0x400, $0x38;
	[tilespmem:$0x1EA80] =	vst v63  }
0x121: {  	_ =	swait.ge @p1 [sflag:s21], $0x400  }
0x122: {  	[sflag:s21] =	ssyncset.done @p1 $0x0  }
0x123: {  	s24 =	simm.s32 @p1 $0x0;
	[sflag:s21] =	ssyncadd.s32 @p1 $0xFFFFFC00  }
0x124: {  	[hbm4b:s22+s24] =	stream.linear.scatter @p1 [tilespmem:s14], [sflag:$0x1], $0x400, $0x38;
	[tilespmem:$0x1EA80] =	vst v63  }
0x125: {  	s14 =	simm.s32 @p1 $0x1E780  }
0x126: {  	[tilespmem:s14], [sflag:$0x6] =	stream.linear.gather @p1 [spmem:s11], $0x208, $0x38;
	[tilespmem:$0x1EA80] =	vst v63  }
0x127: {  	_ =	swait.ge @p1 [sflag:s21], $0x208  }
0x128: {  	[sflag:s21] =	ssyncset.done @p1 $0x0  }
0x129: {  	[sflag:s21] =	ssyncadd.s32 @p1 $0xFFFFFDF8  }
0x12a: {  	[hbm4b:s23+s24] =	stream.linear.scatter @p1 [tilespmem:s14], [sflag:$0x2], $0x208, $0x38;
	[tilespmem:$0x1EA80] =	vst v63  }
0x12b: {  	s14 =	simm.s32 @p1 $0x1  }
0x12c: {  	_ =	swait.ge @p1 [sflag:s14], $0x400  }
0x12d: {  	[sflag:s14] =	ssyncset.done @p1 $0x0  }
0x12e: {  	[sflag:s14] =	ssyncadd.s32 @p1 $0xFFFFFC00;
	s14 =	simm.s32 @p1 $0x2  }
0x12f: {  	_ =	swait.ge @p1 [sflag:s14], $0x208  }
0x130: {  	[sflag:s14] =	ssyncset.done @p1 $0x0  }
0x131: {  	s21 =	simm.s32 @!p1 $0x6;
	[sflag:s14] =	ssyncadd.s32 @p1 $0xFFFFFDF8;
	s14 =	simm.s32 @!p1 $0x16700  }
0x132: {  	[tilespmem:s14], [sflag:$0x6] =	stream.linear.gather @!p1 [spmem:s10], $0x3C00, $0x38;
	[tilespmem:$0x1EA80] =	vst v63  }
0x133: {  	_ =	swait.ge @!p1 [sflag:s21], $0x3C00  }
0x134: {  	[sflag:s21] =	ssyncset.done @!p1 $0x0  }
0x135: {  	s24 =	simm.s32 @!p1 $0x0;
	[sflag:s21] =	ssyncadd.s32 @!p1 $0xFFFFC400  }
0x136: {  	[hbm4b:s22+s24] =	stream.linear.scatter @!p1 [tilespmem:s14], [sflag:$0x1], $0x3C00, $0x38;
	[tilespmem:$0x1EA80] =	vst v63  }
0x137: {  	s14 =	simm.s32 @!p1 $0x1E780  }
0x138: {  	[tilespmem:s14], [sflag:$0x6] =	stream.linear.gather @!p1 [spmem:s11], $0x278, $0x38;
	[tilespmem:$0x1EA80] =	vst v63  }
0x139: {  	_ =	swait.ge @!p1 [sflag:s21], $0x278  }
0x13a: {  	[sflag:s21] =	ssyncset.done @!p1 $0x0  }
0x13b: {  	[sflag:s21] =	ssyncadd.s32 @!p1 $0xFFFFFD88  }
0x13c: {  	[hbm4b:s23+s24] =	stream.linear.scatter @!p1 [tilespmem:s14], [sflag:$0x2], $0x278, $0x38;
	[tilespmem:$0x1EA80] =	vst v63  }
0x13d: {  	s14 =	simm.s32 @!p1 $0x1  }
0x13e: {  	_ =	swait.ge @!p1 [sflag:s14], $0x3C00  }
0x13f: {  	[sflag:s14] =	ssyncset.done @!p1 $0x0  }
0x140: {  	[sflag:s14] =	ssyncadd.s32 @!p1 $0xFFFFC400;
	s14 =	simm.s32 @!p1 $0x2  }
0x141: {  	_ =	swait.ge @!p1 [sflag:s14], $0x278  }
0x142: {  	[sflag:s14] =	ssyncset.done @!p1 $0x0  }
0x143: {  	[sflag:s14] =	ssyncadd.s32 @!p1 $0xFFFFFD88  }
0x144: {  	_ =	swait.ge [sflag:s29], $0x4000  }
0x145: {  	s20 =	sadd.s32 $0x1, s20;
	s24 =	rddreg [dreg:$0xf]  }
0x146: {  	p2 =	sne.s32 s20, s24  }
.Ltmp7:
0x147: {  	_ = 	snop;
	(pc) =	sbr.rel @p2 .LBB2_1-.Ltmp7, $3  }
0x148: {  	_ =	sdelay $0x1  }
0x149: {  	[sflag:s29] =	ssyncset.done $0x0  }
0x14a: {  	[sflag:s29] =	ssyncadd.s32 $0xFFFFC000  }
0x14b: {  	_ =	sfence.sel $0x180000  }
0x14c: {  	[bflag:$0x0] =	sbarrier.arrive $0xFFFF  }
0x14d: {  	_ =	strace $0x90000047  }
0x14e: {  	s0 =	stileid.u32;
	[bflag:$0x2] =	sbarrier.arrive $0xFFFF  }
0x14f: {  	p0 =	sne.s32 s0, $0x0;
	s0 =	rddreg [dreg:$0x5]  }
0x150: {  	s0 =	sadd.s32 @!p0 $0x100000, s0  }
0x151: {  	[sflag:s0] =	ssyncadd.tile.s32 @!p0 $0x1;
	_ =	shalt  }
.Lfunc_end2:
_tile_overlayer_lowered:
.L_overlay_start_2:
0x152: {  	(tag) =	ssettag $0x2  }
0x153: {  	s0 =	rddreg [dreg:$0x0];
	s2 =	stileid.u32  }
0x154: {  	s1 =	rddreg [dreg:$0x1];
	p0 =	sne.s32 s2, $0x0  }
0x155: {  	s3 =	rddreg [dreg:$0x2];
	[bflag:$0x3] =	sbarrier.arrive $0xFFFF;
	s2 =	simm.s32 @!p0 $0x1C06  }
0x156: {  	[timem:s3], [sflag:s2] =	dma.local @!p0 [hbm:s0], s1  }
0x157: {  	s0 =	simm.s32 @!p0 $0x6  }
0x158: {  	_ =	swait.ge @!p0 [sflag:s0], s1  }
0x159: {  	s1 =	ssub.s32 @!p0 $0x0, s1;
	[sflag:s0] =	ssyncset.done @!p0 $0x0  }
0x15a: {  	[sflag:s0] =	ssyncadd.s32 @!p0 s1  }
0x15b: {  	[bflag:$0x3] =	sbarrier.arrive $0xFFFF  }
0x15c: {  	_ =	shalt  }

</sc_bundles>
